<compile_context>
chip_gen: v7x
topology: tpu7x:2x2x1
jax: 0.10.2.dev20260603
libtpu: 0.0.44.dev20260713+nightly
codegen_flags: <defaults>
</compile_context>

<pallas_src>
import functools

import jax
import jax.numpy as jnp
from jax import lax
from jax.experimental import pallas as pl
from jax.experimental.pallas import tpu as pltpu
from jax.experimental.pallas import tpu_sc as plsc

_VOCAB = 32768
_B, _S = 4, 512
_N = _B * _S
_K = 1664
_NC, _NS, _L = 2, 16, 16
_NW = _NC * _NS
_RPW = (_N - _K) // _NW
_ROWS_BLK = 32


def _tc_body(ids_ref, vals_ref, alias_ref, out_ref):
    del alias_ref
    ids = ids_ref[...]
    vals = vals_ref[...]
    iota = jax.lax.broadcasted_iota(jnp.int32, (_ROWS_BLK, _VOCAB), 1)
    out_ref[...] = jnp.where(iota == ids, vals, jnp.float32(0.0))


def _sc_body(cols_hbm, svals_hbm, out_hbm, zbuf0, zbuf1, cols_v, vals_v,
             sem0, sem1):
    wid = lax.axis_index("s") * _NC + lax.axis_index("c")

    stage0 = pltpu.async_copy(cols_hbm.at[pl.ds(wid * _L, _L)], cols_v,
                              sem0)
    stage1 = pltpu.async_copy(svals_hbm.at[pl.ds(wid * _L, _L)], vals_v,
                              sem1)

    zbufs = (zbuf0, zbuf1)
    sems = (sem0, sem1)

    def _z(i, carry):
        b = i * (_L * 8)
        for u in range(8):
            zbuf0[pl.ds(b + u * _L, _L)] = jnp.zeros((_L,), jnp.float32)
            zbuf1[pl.ds(b + u * _L, _L)] = jnp.zeros((_L,), jnp.float32)
        return carry
    lax.fori_loop(0, _VOCAB // (_L * 8), _z, 0)
    stage0.wait()
    stage1.wait()

    cols = cols_v[...]
    vals = vals_v[...]
    lane = lax.iota(jnp.int32, _L)
    zeros16 = jnp.zeros((_L,), jnp.float32)

    base_row = _K + wid * _RPW
    copies = [None, None]
    for r in range(_RPW):
        b = r % 2
        if copies[b] is not None:
            copies[b].wait()
            plsc.store_scatter(zbufs[b], [cols], zeros16,
                               mask=lane == (r - 2))
        plsc.store_scatter(zbufs[b], [cols], vals, mask=lane == r)
        dst = out_hbm.at[base_row + r]
        copies[b] = pltpu.async_copy(zbufs[b], dst, sems[b])
    for cp in copies:
        if cp is not None:
            cp.wait()


_sc_fill = functools.partial(
    pl.kernel,
    out_type=jax.ShapeDtypeStruct((_N, _VOCAB), jnp.float32),
    mesh=plsc.VectorSubcoreMesh(core_axis_name="c", subcore_axis_name="s"),
    compiler_params=pltpu.CompilerParams(needs_layout_passes=False),
    scratch_types=[
        pltpu.VMEM((_VOCAB,), jnp.float32),
        pltpu.VMEM((_VOCAB,), jnp.float32),
        pltpu.VMEM((_L,), jnp.int32),
        pltpu.VMEM((_L,), jnp.float32),
        pltpu.SemaphoreType.DMA,
        pltpu.SemaphoreType.DMA,
    ],
)(_sc_body)


def kernel(input_ids, attention_mask, boost):
    B, S = input_ids.shape
    ids32 = input_ids.astype(jnp.int32)
    ids = jnp.clip(ids32, 0, _VOCAB - 1).reshape(_N)
    valid = (attention_mask == 1) & (ids32 >= 0) & (ids32 < _VOCAB)
    vals = jnp.where(valid.reshape(_N), boost.astype(jnp.float32),
                     jnp.float32(0.0))

    cols = ids[_K:].reshape(_NW, _RPW)
    svals = vals[_K:].reshape(_NW, _RPW)
    pad = ((0, 0), (0, _L - _RPW))
    cols = jnp.pad(cols, pad).reshape(_NW * _L)
    svals = jnp.pad(svals, pad).reshape(_NW * _L)
    sc_out = _sc_fill(cols, svals)

    out = pl.pallas_call(
        _tc_body,
        grid=(_K // _ROWS_BLK,),
        in_specs=[
            pl.BlockSpec((_ROWS_BLK, 1), lambda i: (i, 0)),
            pl.BlockSpec((_ROWS_BLK, 1), lambda i: (i, 0)),
            pl.BlockSpec((8, 128), lambda i: (0, 0)),
        ],
        out_specs=pl.BlockSpec((_ROWS_BLK, _VOCAB), lambda i: (i, 0)),
        out_shape=jax.ShapeDtypeStruct((_N, _VOCAB), jnp.float32),
        input_output_aliases={2: 0},
        compiler_params=pltpu.CompilerParams(
            dimension_semantics=("arbitrary",)),
    )(ids[:_K, None], vals[:_K, None], sc_out)
    return out.reshape(B, S, _VOCAB)

# --- scband reference (transcript-rebuilt; emitter-appended) ---
"""Pipeline reference for scband-mock-sparse-model-24532853195121 (READ-ONLY COPY).

The authoritative reference and input builder live on the scoring server;
editing this copy changes nothing except your own understanding.
"""

import jax, jax.numpy as jnp
import numpy as np

VOCAB_SIZE = 32768

def setup_inputs(seed: int = 0) -> dict:
    key = jax.random.key(seed)
    k1, k2 = jax.random.split(key, 2)
    input_ids = jax.random.randint(k1, (4, 512), 0, VOCAB_SIZE, dtype=jnp.int64)
    attention_mask = jax.random.randint(k2, (4, 512), 0, 2, dtype=jnp.int64)
    boost = jnp.asarray(3.0, dtype=jnp.float32)
    return {"input_ids": input_ids, "attention_mask": attention_mask, "boost": boost}

def reference(input_ids, attention_mask, boost):
    B, S = input_ids.shape
    V = VOCAB_SIZE
    valid = (attention_mask == 1) & (input_ids >= 0) & (input_ids < V)
    ids = jnp.clip(input_ids, 0, V - 1)
    vals = jnp.where(valid, boost, jnp.float32(0.0)).astype(jnp.float32)
    b_idx = jnp.arange(B)[:, None]
    t_idx = jnp.arange(S)[None, :]
    logits = jnp.zeros((B, S, V), dtype=jnp.float32).at[b_idx, t_idx, ids].set(vals)
    return logits

if __name__ == "__main__":
    import jax
    _d = setup_inputs()
    print(jax.jit(kernel)(*tuple(_d.values())))

</pallas_src>

<mosaic_0001>
#map = affine_map<(d0, d1) -> (0)>
#map1 = affine_map<(d0, d1) -> (0, 0)>
module attributes {stable_mosaic.version = 14 : i64} {
  func.func @_sc_body(%arg0: i32, %arg1: i32, %arg2: memref<512xi32, #tpu.memory_space<hbm>>, %arg3: memref<512xf32, #tpu.memory_space<hbm>>, %arg4: memref<2048x32768xf32, #tpu.memory_space<hbm>>, %arg5: memref<32768xf32, #tpu.memory_space<vmem>>, %arg6: memref<32768xf32, #tpu.memory_space<vmem>>, %arg7: memref<16xi32, #tpu.memory_space<vmem>>, %arg8: memref<16xf32, #tpu.memory_space<vmem>>, %arg9: memref<!tpu.dma_semaphore, #tpu.memory_space<semaphore_mem>>, %arg10: memref<!tpu.dma_semaphore, #tpu.memory_space<semaphore_mem>>) attributes {dimension_semantics = [#tpu.dimension_semantics<core_parallel>, #tpu.dimension_semantics<subcore_parallel>], iteration_bounds = array<i64: 2, 16>, scalar_prefetch = 0 : i64, scratch_operands = 6 : i64, tpu.core_type = #tpu.core_type<sc_vector_subcore>, window_params = [{transform_indices = #map}, {transform_indices = #map}, {transform_indices = #map1}]} {
    %mul3A = arith.constant 2 : i32
    %mul3A_0 = arith.muli %arg1, %mul3A : i32
    %add3A = arith.addi %mul3A_0, %arg0 : i32
    %mul3A_1 = arith.constant 16 : i32
    %mul3A_2 = arith.muli %add3A, %mul3A_1 : i32
    %dma_start3A = tpu.memref_slice %arg2[%mul3A_2] : memref<512xi32, #tpu.memory_space<hbm>> -> memref<16xi32, #tpu.memory_space<hbm>>
    %dma_start3A_3 = tpu.memref_slice %arg2[%mul3A_2] : memref<512xi32, #tpu.memory_space<hbm>> -> memref<16xi32, #tpu.memory_space<hbm>>
    tpu.enqueue_dma source(%dma_start3A_3 : memref<16xi32, #tpu.memory_space<hbm>>) target(%arg7 : memref<16xi32, #tpu.memory_space<vmem>>) target_semaphore(%arg9 : memref<!tpu.dma_semaphore, #tpu.memory_space<semaphore_mem>>)
    %mul3A_4 = arith.constant 16 : i32
    %mul3A_5 = arith.muli %add3A, %mul3A_4 : i32
    %dma_start3A_6 = tpu.memref_slice %arg3[%mul3A_5] : memref<512xf32, #tpu.memory_space<hbm>> -> memref<16xf32, #tpu.memory_space<hbm>>
    %dma_start3A_7 = tpu.memref_slice %arg3[%mul3A_5] : memref<512xf32, #tpu.memory_space<hbm>> -> memref<16xf32, #tpu.memory_space<hbm>>
    tpu.enqueue_dma source(%dma_start3A_7 : memref<16xf32, #tpu.memory_space<hbm>>) target(%arg8 : memref<16xf32, #tpu.memory_space<vmem>>) target_semaphore(%arg10 : memref<!tpu.dma_semaphore, #tpu.memory_space<semaphore_mem>>)
    %scan3A = arith.constant 0 : i32
    %scan3A_8 = arith.constant 0 : i32
    %scan3A_9 = arith.constant 256 : i32
    %scan3A_10 = arith.addi %scan3A_8, %scan3A_9 : i32
    %scan3A_11 = arith.constant 1 : i32
    scf.for %scan3A_257 = %scan3A_8 to %scan3A_10 step %scan3A_11  : i32 {
      %mul3A_258 = arith.constant 128 : i32
      %mul3A_259 = arith.muli %scan3A_257, %mul3A_258 : i32
      %broadcast_in_dim3A_260 = arith.constant 0.000000e+00 : f32
      %broadcast_in_dim3A_261 = vector.broadcast %broadcast_in_dim3A_260 : f32 to vector<16xf32>
      %add3A_262 = arith.constant 0 : i32
      %add3A_263 = arith.addi %mul3A_259, %add3A_262 : i32
      %swap3A = arith.index_cast %add3A_263 : i32 to index
      %swap3A_264 = tpu.vector_load %arg5[%swap3A] {strides = array<i32>} : memref<32768xf32, #tpu.memory_space<vmem>>, vector<16xf32>,
      tpu.vector_store %arg5[%swap3A], %broadcast_in_dim3A_261 {strides = array<i32>} : memref<32768xf32, #tpu.memory_space<vmem>>, vector<16xf32>,
      %broadcast_in_dim3A_265 = arith.constant 0.000000e+00 : f32
      %broadcast_in_dim3A_266 = vector.broadcast %broadcast_in_dim3A_265 : f32 to vector<16xf32>
      %add3A_267 = arith.constant 0 : i32
      %add3A_268 = arith.addi %mul3A_259, %add3A_267 : i32
      %swap3A_269 = arith.index_cast %add3A_268 : i32 to index
      %swap3A_270 = tpu.vector_load %arg6[%swap3A_269] {strides = array<i32>} : memref<32768xf32, #tpu.memory_space<vmem>>, vector<16xf32>,
      tpu.vector_store %arg6[%swap3A_269], %broadcast_in_dim3A_266 {strides = array<i32>} : memref<32768xf32, #tpu.memory_space<vmem>>, vector<16xf32>,
      %broadcast_in_dim3A_271 = arith.constant 0.000000e+00 : f32
      %broadcast_in_dim3A_272 = vector.broadcast %broadcast_in_dim3A_271 : f32 to vector<16xf32>
      %add3A_273 = arith.constant 16 : i32
      %add3A_274 = arith.addi %mul3A_259, %add3A_273 : i32
      %swap3A_275 = arith.index_cast %add3A_274 : i32 to index
      %swap3A_276 = tpu.vector_load %arg5[%swap3A_275] {strides = array<i32>} : memref<32768xf32, #tpu.memory_space<vmem>>, vector<16xf32>,
      tpu.vector_store %arg5[%swap3A_275], %broadcast_in_dim3A_272 {strides = array<i32>} : memref<32768xf32, #tpu.memory_space<vmem>>, vector<16xf32>,
      %broadcast_in_dim3A_277 = arith.constant 0.000000e+00 : f32
      %broadcast_in_dim3A_278 = vector.broadcast %broadcast_in_dim3A_277 : f32 to vector<16xf32>
      %add3A_279 = arith.constant 16 : i32
      %add3A_280 = arith.addi %mul3A_259, %add3A_279 : i32
      %swap3A_281 = arith.index_cast %add3A_280 : i32 to index
      %swap3A_282 = tpu.vector_load %arg6[%swap3A_281] {strides = array<i32>} : memref<32768xf32, #tpu.memory_space<vmem>>, vector<16xf32>,
      tpu.vector_store %arg6[%swap3A_281], %broadcast_in_dim3A_278 {strides = array<i32>} : memref<32768xf32, #tpu.memory_space<vmem>>, vector<16xf32>,
      %broadcast_in_dim3A_283 = arith.constant 0.000000e+00 : f32
      %broadcast_in_dim3A_284 = vector.broadcast %broadcast_in_dim3A_283 : f32 to vector<16xf32>
      %add3A_285 = arith.constant 32 : i32
      %add3A_286 = arith.addi %mul3A_259, %add3A_285 : i32
      %swap3A_287 = arith.index_cast %add3A_286 : i32 to index
      %swap3A_288 = tpu.vector_load %arg5[%swap3A_287] {strides = array<i32>} : memref<32768xf32, #tpu.memory_space<vmem>>, vector<16xf32>,
      tpu.vector_store %arg5[%swap3A_287], %broadcast_in_dim3A_284 {strides = array<i32>} : memref<32768xf32, #tpu.memory_space<vmem>>, vector<16xf32>,
      %broadcast_in_dim3A_289 = arith.constant 0.000000e+00 : f32
      %broadcast_in_dim3A_290 = vector.broadcast %broadcast_in_dim3A_289 : f32 to vector<16xf32>
      %add3A_291 = arith.constant 32 : i32
      %add3A_292 = arith.addi %mul3A_259, %add3A_291 : i32
      %swap3A_293 = arith.index_cast %add3A_292 : i32 to index
      %swap3A_294 = tpu.vector_load %arg6[%swap3A_293] {strides = array<i32>} : memref<32768xf32, #tpu.memory_space<vmem>>, vector<16xf32>,
      tpu.vector_store %arg6[%swap3A_293], %broadcast_in_dim3A_290 {strides = array<i32>} : memref<32768xf32, #tpu.memory_space<vmem>>, vector<16xf32>,
      %broadcast_in_dim3A_295 = arith.constant 0.000000e+00 : f32
      %broadcast_in_dim3A_296 = vector.broadcast %broadcast_in_dim3A_295 : f32 to vector<16xf32>
      %add3A_297 = arith.constant 48 : i32
      %add3A_298 = arith.addi %mul3A_259, %add3A_297 : i32
      %swap3A_299 = arith.index_cast %add3A_298 : i32 to index
      %swap3A_300 = tpu.vector_load %arg5[%swap3A_299] {strides = array<i32>} : memref<32768xf32, #tpu.memory_space<vmem>>, vector<16xf32>,
      tpu.vector_store %arg5[%swap3A_299], %broadcast_in_dim3A_296 {strides = array<i32>} : memref<32768xf32, #tpu.memory_space<vmem>>, vector<16xf32>,
      %broadcast_in_dim3A_301 = arith.constant 0.000000e+00 : f32
      %broadcast_in_dim3A_302 = vector.broadcast %broadcast_in_dim3A_301 : f32 to vector<16xf32>
      %add3A_303 = arith.constant 48 : i32
      %add3A_304 = arith.addi %mul3A_259, %add3A_303 : i32
      %swap3A_305 = arith.index_cast %add3A_304 : i32 to index
      %swap3A_306 = tpu.vector_load %arg6[%swap3A_305] {strides = array<i32>} : memref<32768xf32, #tpu.memory_space<vmem>>, vector<16xf32>,
      tpu.vector_store %arg6[%swap3A_305], %broadcast_in_dim3A_302 {strides = array<i32>} : memref<32768xf32, #tpu.memory_space<vmem>>, vector<16xf32>,
      %broadcast_in_dim3A_307 = arith.constant 0.000000e+00 : f32
      %broadcast_in_dim3A_308 = vector.broadcast %broadcast_in_dim3A_307 : f32 to vector<16xf32>
      %add3A_309 = arith.constant 64 : i32
      %add3A_310 = arith.addi %mul3A_259, %add3A_309 : i32
      %swap3A_311 = arith.index_cast %add3A_310 : i32 to index
      %swap3A_312 = tpu.vector_load %arg5[%swap3A_311] {strides = array<i32>} : memref<32768xf32, #tpu.memory_space<vmem>>, vector<16xf32>,
      tpu.vector_store %arg5[%swap3A_311], %broadcast_in_dim3A_308 {strides = array<i32>} : memref<32768xf32, #tpu.memory_space<vmem>>, vector<16xf32>,
      %broadcast_in_dim3A_313 = arith.constant 0.000000e+00 : f32
      %broadcast_in_dim3A_314 = vector.broadcast %broadcast_in_dim3A_313 : f32 to vector<16xf32>
      %add3A_315 = arith.constant 64 : i32
      %add3A_316 = arith.addi %mul3A_259, %add3A_315 : i32
      %swap3A_317 = arith.index_cast %add3A_316 : i32 to index
      %swap3A_318 = tpu.vector_load %arg6[%swap3A_317] {strides = array<i32>} : memref<32768xf32, #tpu.memory_space<vmem>>, vector<16xf32>,
      tpu.vector_store %arg6[%swap3A_317], %broadcast_in_dim3A_314 {strides = array<i32>} : memref<32768xf32, #tpu.memory_space<vmem>>, vector<16xf32>,
      %broadcast_in_dim3A_319 = arith.constant 0.000000e+00 : f32
      %broadcast_in_dim3A_320 = vector.broadcast %broadcast_in_dim3A_319 : f32 to vector<16xf32>
      %add3A_321 = arith.constant 80 : i32
      %add3A_322 = arith.addi %mul3A_259, %add3A_321 : i32
      %swap3A_323 = arith.index_cast %add3A_322 : i32 to index
      %swap3A_324 = tpu.vector_load %arg5[%swap3A_323] {strides = array<i32>} : memref<32768xf32, #tpu.memory_space<vmem>>, vector<16xf32>,
      tpu.vector_store %arg5[%swap3A_323], %broadcast_in_dim3A_320 {strides = array<i32>} : memref<32768xf32, #tpu.memory_space<vmem>>, vector<16xf32>,
      %broadcast_in_dim3A_325 = arith.constant 0.000000e+00 : f32
      %broadcast_in_dim3A_326 = vector.broadcast %broadcast_in_dim3A_325 : f32 to vector<16xf32>
      %add3A_327 = arith.constant 80 : i32
      %add3A_328 = arith.addi %mul3A_259, %add3A_327 : i32
      %swap3A_329 = arith.index_cast %add3A_328 : i32 to index
      %swap3A_330 = tpu.vector_load %arg6[%swap3A_329] {strides = array<i32>} : memref<32768xf32, #tpu.memory_space<vmem>>, vector<16xf32>,
      tpu.vector_store %arg6[%swap3A_329], %broadcast_in_dim3A_326 {strides = array<i32>} : memref<32768xf32, #tpu.memory_space<vmem>>, vector<16xf32>,
      %broadcast_in_dim3A_331 = arith.constant 0.000000e+00 : f32
      %broadcast_in_dim3A_332 = vector.broadcast %broadcast_in_dim3A_331 : f32 to vector<16xf32>
      %add3A_333 = arith.constant 96 : i32
      %add3A_334 = arith.addi %mul3A_259, %add3A_333 : i32
      %swap3A_335 = arith.index_cast %add3A_334 : i32 to index
      %swap3A_336 = tpu.vector_load %arg5[%swap3A_335] {strides = array<i32>} : memref<32768xf32, #tpu.memory_space<vmem>>, vector<16xf32>,
      tpu.vector_store %arg5[%swap3A_335], %broadcast_in_dim3A_332 {strides = array<i32>} : memref<32768xf32, #tpu.memory_space<vmem>>, vector<16xf32>,
      %broadcast_in_dim3A_337 = arith.constant 0.000000e+00 : f32
      %broadcast_in_dim3A_338 = vector.broadcast %broadcast_in_dim3A_337 : f32 to vector<16xf32>
      %add3A_339 = arith.constant 96 : i32
      %add3A_340 = arith.addi %mul3A_259, %add3A_339 : i32
      %swap3A_341 = arith.index_cast %add3A_340 : i32 to index
      %swap3A_342 = tpu.vector_load %arg6[%swap3A_341] {strides = array<i32>} : memref<32768xf32, #tpu.memory_space<vmem>>, vector<16xf32>,
      tpu.vector_store %arg6[%swap3A_341], %broadcast_in_dim3A_338 {strides = array<i32>} : memref<32768xf32, #tpu.memory_space<vmem>>, vector<16xf32>,
      %broadcast_in_dim3A_343 = arith.constant 0.000000e+00 : f32
      %broadcast_in_dim3A_344 = vector.broadcast %broadcast_in_dim3A_343 : f32 to vector<16xf32>
      %add3A_345 = arith.constant 112 : i32
      %add3A_346 = arith.addi %mul3A_259, %add3A_345 : i32
      %swap3A_347 = arith.index_cast %add3A_346 : i32 to index
      %swap3A_348 = tpu.vector_load %arg5[%swap3A_347] {strides = array<i32>} : memref<32768xf32, #tpu.memory_space<vmem>>, vector<16xf32>,
      tpu.vector_store %arg5[%swap3A_347], %broadcast_in_dim3A_344 {strides = array<i32>} : memref<32768xf32, #tpu.memory_space<vmem>>, vector<16xf32>,
      %broadcast_in_dim3A_349 = arith.constant 0.000000e+00 : f32
      %broadcast_in_dim3A_350 = vector.broadcast %broadcast_in_dim3A_349 : f32 to vector<16xf32>
      %add3A_351 = arith.constant 112 : i32
      %add3A_352 = arith.addi %mul3A_259, %add3A_351 : i32
      %swap3A_353 = arith.index_cast %add3A_352 : i32 to index
      %swap3A_354 = tpu.vector_load %arg6[%swap3A_353] {strides = array<i32>} : memref<32768xf32, #tpu.memory_space<vmem>>, vector<16xf32>,
      tpu.vector_store %arg6[%swap3A_353], %broadcast_in_dim3A_350 {strides = array<i32>} : memref<32768xf32, #tpu.memory_space<vmem>>, vector<16xf32>,
    }
    %scan3A_12 = arith.constant 256 : i32
    %dma_wait3A = tpu.memref_slice %arg2[%mul3A_2] : memref<512xi32, #tpu.memory_space<hbm>> -> memref<16xi32, #tpu.memory_space<hbm>>
    %dma_wait3A_13 = tpu.memref_slice %arg2[%mul3A_2] : memref<512xi32, #tpu.memory_space<hbm>> -> memref<16xi32, #tpu.memory_space<hbm>>
    tpu.wait_dma2 semaphore(%arg9 : memref<!tpu.dma_semaphore, #tpu.memory_space<semaphore_mem>>) src(%dma_wait3A_13 : memref<16xi32, #tpu.memory_space<hbm>>) dst(%arg7 : memref<16xi32, #tpu.memory_space<vmem>>)
    %dma_wait3A_14 = tpu.memref_slice %arg3[%mul3A_5] : memref<512xf32, #tpu.memory_space<hbm>> -> memref<16xf32, #tpu.memory_space<hbm>>
    %dma_wait3A_15 = tpu.memref_slice %arg3[%mul3A_5] : memref<512xf32, #tpu.memory_space<hbm>> -> memref<16xf32, #tpu.memory_space<hbm>>
    tpu.wait_dma2 semaphore(%arg10 : memref<!tpu.dma_semaphore, #tpu.memory_space<semaphore_mem>>) src(%dma_wait3A_15 : memref<16xf32, #tpu.memory_space<hbm>>) dst(%arg8 : memref<16xf32, #tpu.memory_space<vmem>>)
    %get3A = arith.constant 0 : index
    %get3A_16 = tpu.vector_load %arg7[%get3A] {strides = array<i32>} : memref<16xi32, #tpu.memory_space<vmem>>, vector<16xi32>,
    %get3A_17 = arith.constant 0 : index
    %get3A_18 = tpu.vector_load %arg8[%get3A_17] {strides = array<i32>} : memref<16xf32, #tpu.memory_space<vmem>>, vector<16xf32>,
    %iota3A = tpu.iota {dimensions = array<i32: 0>} : vector<16xi32>
    %broadcast_in_dim3A = arith.constant 0.000000e+00 : f32
    %broadcast_in_dim3A_19 = vector.broadcast %broadcast_in_dim3A : f32 to vector<16xf32>
    %mul3A_20 = arith.constant 12 : i32
    %mul3A_21 = arith.muli %add3A, %mul3A_20 : i32
    %add3A_22 = arith.constant 1664 : i32
    %add3A_23 = arith.addi %add3A_22, %mul3A_21 : i32
    %eq3A = arith.constant 0 : i32
    %eq3A_24 = vector.broadcast %eq3A : i32 to vector<16xi32>
    %eq3A_25 = arith.cmpi eq, %iota3A, %eq3A_24 : vector<16xi32>
    tpu.vector_store_idx %arg5[%get3A_16], %get3A_18 masked %eq3A_25 : memref<32768xf32, #tpu.memory_space<vmem>>[vector<16xi32>], vector<16xf32>, vector<16xi1>
    %add3A_26 = arith.constant 0 : i32
    %add3A_27 = arith.addi %add3A_23, %add3A_26 : i32
    %dma_start3A_28 = arith.constant 0 : i32
    %dma_start3A_29 = tpu.memref_slice %arg4[%add3A_27, %dma_start3A_28] : memref<2048x32768xf32, #tpu.memory_space<hbm>> -> memref<1x32768xf32, #tpu.memory_space<hbm>>
    %dma_start3A_30 = tpu.memref_squeeze %dma_start3A_29 : memref<1x32768xf32, #tpu.memory_space<hbm>> -> memref<32768xf32, #tpu.memory_space<hbm>>
    %dma_start3A_31 = arith.constant 0 : i32
    %dma_start3A_32 = tpu.memref_slice %arg4[%add3A_27, %dma_start3A_31] : memref<2048x32768xf32, #tpu.memory_space<hbm>> -> memref<1x32768xf32, #tpu.memory_space<hbm>>
    %dma_start3A_33 = tpu.memref_squeeze %dma_start3A_32 : memref<1x32768xf32, #tpu.memory_space<hbm>> -> memref<32768xf32, #tpu.memory_space<hbm>>
    tpu.enqueue_dma source(%arg5 : memref<32768xf32, #tpu.memory_space<vmem>>) target(%dma_start3A_33 : memref<32768xf32, #tpu.memory_space<hbm>>) target_semaphore(%arg9 : memref<!tpu.dma_semaphore, #tpu.memory_space<semaphore_mem>>)
    %eq3A_34 = arith.constant 1 : i32
    %eq3A_35 = vector.broadcast %eq3A_34 : i32 to vector<16xi32>
    %eq3A_36 = arith.cmpi eq, %iota3A, %eq3A_35 : vector<16xi32>
    tpu.vector_store_idx %arg6[%get3A_16], %get3A_18 masked %eq3A_36 : memref<32768xf32, #tpu.memory_space<vmem>>[vector<16xi32>], vector<16xf32>, vector<16xi1>
    %add3A_37 = arith.constant 1 : i32
    %add3A_38 = arith.addi %add3A_23, %add3A_37 : i32
    %dma_start3A_39 = arith.constant 0 : i32
    %dma_start3A_40 = tpu.memref_slice %arg4[%add3A_38, %dma_start3A_39] : memref<2048x32768xf32, #tpu.memory_space<hbm>> -> memref<1x32768xf32, #tpu.memory_space<hbm>>
    %dma_start3A_41 = tpu.memref_squeeze %dma_start3A_40 : memref<1x32768xf32, #tpu.memory_space<hbm>> -> memref<32768xf32, #tpu.memory_space<hbm>>
    %dma_start3A_42 = arith.constant 0 : i32
    %dma_start3A_43 = tpu.memref_slice %arg4[%add3A_38, %dma_start3A_42] : memref<2048x32768xf32, #tpu.memory_space<hbm>> -> memref<1x32768xf32, #tpu.memory_space<hbm>>
    %dma_start3A_44 = tpu.memref_squeeze %dma_start3A_43 : memref<1x32768xf32, #tpu.memory_space<hbm>> -> memref<32768xf32, #tpu.memory_space<hbm>>
    tpu.enqueue_dma source(%arg6 : memref<32768xf32, #tpu.memory_space<vmem>>) target(%dma_start3A_44 : memref<32768xf32, #tpu.memory_space<hbm>>) target_semaphore(%arg10 : memref<!tpu.dma_semaphore, #tpu.memory_space<semaphore_mem>>)
    %dma_wait3A_45 = arith.constant 0 : i32
    %dma_wait3A_46 = tpu.memref_slice %arg4[%add3A_27, %dma_wait3A_45] : memref<2048x32768xf32, #tpu.memory_space<hbm>> -> memref<1x32768xf32, #tpu.memory_space<hbm>>
    %dma_wait3A_47 = tpu.memref_squeeze %dma_wait3A_46 : memref<1x32768xf32, #tpu.memory_space<hbm>> -> memref<32768xf32, #tpu.memory_space<hbm>>
    %dma_wait3A_48 = arith.constant 0 : i32
    %dma_wait3A_49 = tpu.memref_slice %arg4[%add3A_27, %dma_wait3A_48] : memref<2048x32768xf32, #tpu.memory_space<hbm>> -> memref<1x32768xf32, #tpu.memory_space<hbm>>
    %dma_wait3A_50 = tpu.memref_squeeze %dma_wait3A_49 : memref<1x32768xf32, #tpu.memory_space<hbm>> -> memref<32768xf32, #tpu.memory_space<hbm>>
    tpu.wait_dma2 semaphore(%arg9 : memref<!tpu.dma_semaphore, #tpu.memory_space<semaphore_mem>>) src(%arg5 : memref<32768xf32, #tpu.memory_space<vmem>>) dst(%dma_wait3A_50 : memref<32768xf32, #tpu.memory_space<hbm>>)
    %eq3A_51 = arith.constant 0 : i32
    %eq3A_52 = vector.broadcast %eq3A_51 : i32 to vector<16xi32>
    %eq3A_53 = arith.cmpi eq, %iota3A, %eq3A_52 : vector<16xi32>
    tpu.vector_store_idx %arg5[%get3A_16], %broadcast_in_dim3A_19 masked %eq3A_53 : memref<32768xf32, #tpu.memory_space<vmem>>[vector<16xi32>], vector<16xf32>, vector<16xi1>
    %eq3A_54 = arith.constant 2 : i32
    %eq3A_55 = vector.broadcast %eq3A_54 : i32 to vector<16xi32>
    %eq3A_56 = arith.cmpi eq, %iota3A, %eq3A_55 : vector<16xi32>
    tpu.vector_store_idx %arg5[%get3A_16], %get3A_18 masked %eq3A_56 : memref<32768xf32, #tpu.memory_space<vmem>>[vector<16xi32>], vector<16xf32>, vector<16xi1>
    %add3A_57 = arith.constant 2 : i32
    %add3A_58 = arith.addi %add3A_23, %add3A_57 : i32
    %dma_start3A_59 = arith.constant 0 : i32
    %dma_start3A_60 = tpu.memref_slice %arg4[%add3A_58, %dma_start3A_59] : memref<2048x32768xf32, #tpu.memory_space<hbm>> -> memref<1x32768xf32, #tpu.memory_space<hbm>>
    %dma_start3A_61 = tpu.memref_squeeze %dma_start3A_60 : memref<1x32768xf32, #tpu.memory_space<hbm>> -> memref<32768xf32, #tpu.memory_space<hbm>>
    %dma_start3A_62 = arith.constant 0 : i32
    %dma_start3A_63 = tpu.memref_slice %arg4[%add3A_58, %dma_start3A_62] : memref<2048x32768xf32, #tpu.memory_space<hbm>> -> memref<1x32768xf32, #tpu.memory_space<hbm>>
    %dma_start3A_64 = tpu.memref_squeeze %dma_start3A_63 : memref<1x32768xf32, #tpu.memory_space<hbm>> -> memref<32768xf32, #tpu.memory_space<hbm>>
    tpu.enqueue_dma source(%arg5 : memref<32768xf32, #tpu.memory_space<vmem>>) target(%dma_start3A_64 : memref<32768xf32, #tpu.memory_space<hbm>>) target_semaphore(%arg9 : memref<!tpu.dma_semaphore, #tpu.memory_space<semaphore_mem>>)
    %dma_wait3A_65 = arith.constant 0 : i32
    %dma_wait3A_66 = tpu.memref_slice %arg4[%add3A_38, %dma_wait3A_65] : memref<2048x32768xf32, #tpu.memory_space<hbm>> -> memref<1x32768xf32, #tpu.memory_space<hbm>>
    %dma_wait3A_67 = tpu.memref_squeeze %dma_wait3A_66 : memref<1x32768xf32, #tpu.memory_space<hbm>> -> memref<32768xf32, #tpu.memory_space<hbm>>
    %dma_wait3A_68 = arith.constant 0 : i32
    %dma_wait3A_69 = tpu.memref_slice %arg4[%add3A_38, %dma_wait3A_68] : memref<2048x32768xf32, #tpu.memory_space<hbm>> -> memref<1x32768xf32, #tpu.memory_space<hbm>>
    %dma_wait3A_70 = tpu.memref_squeeze %dma_wait3A_69 : memref<1x32768xf32, #tpu.memory_space<hbm>> -> memref<32768xf32, #tpu.memory_space<hbm>>
    tpu.wait_dma2 semaphore(%arg10 : memref<!tpu.dma_semaphore, #tpu.memory_space<semaphore_mem>>) src(%arg6 : memref<32768xf32, #tpu.memory_space<vmem>>) dst(%dma_wait3A_70 : memref<32768xf32, #tpu.memory_space<hbm>>)
    %eq3A_71 = arith.constant 1 : i32
    %eq3A_72 = vector.broadcast %eq3A_71 : i32 to vector<16xi32>
    %eq3A_73 = arith.cmpi eq, %iota3A, %eq3A_72 : vector<16xi32>
    tpu.vector_store_idx %arg6[%get3A_16], %broadcast_in_dim3A_19 masked %eq3A_73 : memref<32768xf32, #tpu.memory_space<vmem>>[vector<16xi32>], vector<16xf32>, vector<16xi1>
    %eq3A_74 = arith.constant 3 : i32
    %eq3A_75 = vector.broadcast %eq3A_74 : i32 to vector<16xi32>
    %eq3A_76 = arith.cmpi eq, %iota3A, %eq3A_75 : vector<16xi32>
    tpu.vector_store_idx %arg6[%get3A_16], %get3A_18 masked %eq3A_76 : memref<32768xf32, #tpu.memory_space<vmem>>[vector<16xi32>], vector<16xf32>, vector<16xi1>
    %add3A_77 = arith.constant 3 : i32
    %add3A_78 = arith.addi %add3A_23, %add3A_77 : i32
    %dma_start3A_79 = arith.constant 0 : i32
    %dma_start3A_80 = tpu.memref_slice %arg4[%add3A_78, %dma_start3A_79] : memref<2048x32768xf32, #tpu.memory_space<hbm>> -> memref<1x32768xf32, #tpu.memory_space<hbm>>
    %dma_start3A_81 = tpu.memref_squeeze %dma_start3A_80 : memref<1x32768xf32, #tpu.memory_space<hbm>> -> memref<32768xf32, #tpu.memory_space<hbm>>
    %dma_start3A_82 = arith.constant 0 : i32
    %dma_start3A_83 = tpu.memref_slice %arg4[%add3A_78, %dma_start3A_82] : memref<2048x32768xf32, #tpu.memory_space<hbm>> -> memref<1x32768xf32, #tpu.memory_space<hbm>>
    %dma_start3A_84 = tpu.memref_squeeze %dma_start3A_83 : memref<1x32768xf32, #tpu.memory_space<hbm>> -> memref<32768xf32, #tpu.memory_space<hbm>>
    tpu.enqueue_dma source(%arg6 : memref<32768xf32, #tpu.memory_space<vmem>>) target(%dma_start3A_84 : memref<32768xf32, #tpu.memory_space<hbm>>) target_semaphore(%arg10 : memref<!tpu.dma_semaphore, #tpu.memory_space<semaphore_mem>>)
    %dma_wait3A_85 = arith.constant 0 : i32
    %dma_wait3A_86 = tpu.memref_slice %arg4[%add3A_58, %dma_wait3A_85] : memref<2048x32768xf32, #tpu.memory_space<hbm>> -> memref<1x32768xf32, #tpu.memory_space<hbm>>
    %dma_wait3A_87 = tpu.memref_squeeze %dma_wait3A_86 : memref<1x32768xf32, #tpu.memory_space<hbm>> -> memref<32768xf32, #tpu.memory_space<hbm>>
    %dma_wait3A_88 = arith.constant 0 : i32
    %dma_wait3A_89 = tpu.memref_slice %arg4[%add3A_58, %dma_wait3A_88] : memref<2048x32768xf32, #tpu.memory_space<hbm>> -> memref<1x32768xf32, #tpu.memory_space<hbm>>
    %dma_wait3A_90 = tpu.memref_squeeze %dma_wait3A_89 : memref<1x32768xf32, #tpu.memory_space<hbm>> -> memref<32768xf32, #tpu.memory_space<hbm>>
    tpu.wait_dma2 semaphore(%arg9 : memref<!tpu.dma_semaphore, #tpu.memory_space<semaphore_mem>>) src(%arg5 : memref<32768xf32, #tpu.memory_space<vmem>>) dst(%dma_wait3A_90 : memref<32768xf32, #tpu.memory_space<hbm>>)
    %eq3A_91 = arith.constant 2 : i32
    %eq3A_92 = vector.broadcast %eq3A_91 : i32 to vector<16xi32>
    %eq3A_93 = arith.cmpi eq, %iota3A, %eq3A_92 : vector<16xi32>
    tpu.vector_store_idx %arg5[%get3A_16], %broadcast_in_dim3A_19 masked %eq3A_93 : memref<32768xf32, #tpu.memory_space<vmem>>[vector<16xi32>], vector<16xf32>, vector<16xi1>
    %eq3A_94 = arith.constant 4 : i32
    %eq3A_95 = vector.broadcast %eq3A_94 : i32 to vector<16xi32>
    %eq3A_96 = arith.cmpi eq, %iota3A, %eq3A_95 : vector<16xi32>
    tpu.vector_store_idx %arg5[%get3A_16], %get3A_18 masked %eq3A_96 : memref<32768xf32, #tpu.memory_space<vmem>>[vector<16xi32>], vector<16xf32>, vector<16xi1>
    %add3A_97 = arith.constant 4 : i32
    %add3A_98 = arith.addi %add3A_23, %add3A_97 : i32
    %dma_start3A_99 = arith.constant 0 : i32
    %dma_start3A_100 = tpu.memref_slice %arg4[%add3A_98, %dma_start3A_99] : memref<2048x32768xf32, #tpu.memory_space<hbm>> -> memref<1x32768xf32, #tpu.memory_space<hbm>>
    %dma_start3A_101 = tpu.memref_squeeze %dma_start3A_100 : memref<1x32768xf32, #tpu.memory_space<hbm>> -> memref<32768xf32, #tpu.memory_space<hbm>>
    %dma_start3A_102 = arith.constant 0 : i32
    %dma_start3A_103 = tpu.memref_slice %arg4[%add3A_98, %dma_start3A_102] : memref<2048x32768xf32, #tpu.memory_space<hbm>> -> memref<1x32768xf32, #tpu.memory_space<hbm>>
    %dma_start3A_104 = tpu.memref_squeeze %dma_start3A_103 : memref<1x32768xf32, #tpu.memory_space<hbm>> -> memref<32768xf32, #tpu.memory_space<hbm>>
    tpu.enqueue_dma source(%arg5 : memref<32768xf32, #tpu.memory_space<vmem>>) target(%dma_start3A_104 : memref<32768xf32, #tpu.memory_space<hbm>>) target_semaphore(%arg9 : memref<!tpu.dma_semaphore, #tpu.memory_space<semaphore_mem>>)
    %dma_wait3A_105 = arith.constant 0 : i32
    %dma_wait3A_106 = tpu.memref_slice %arg4[%add3A_78, %dma_wait3A_105] : memref<2048x32768xf32, #tpu.memory_space<hbm>> -> memref<1x32768xf32, #tpu.memory_space<hbm>>
    %dma_wait3A_107 = tpu.memref_squeeze %dma_wait3A_106 : memref<1x32768xf32, #tpu.memory_space<hbm>> -> memref<32768xf32, #tpu.memory_space<hbm>>
    %dma_wait3A_108 = arith.constant 0 : i32
    %dma_wait3A_109 = tpu.memref_slice %arg4[%add3A_78, %dma_wait3A_108] : memref<2048x32768xf32, #tpu.memory_space<hbm>> -> memref<1x32768xf32, #tpu.memory_space<hbm>>
    %dma_wait3A_110 = tpu.memref_squeeze %dma_wait3A_109 : memref<1x32768xf32, #tpu.memory_space<hbm>> -> memref<32768xf32, #tpu.memory_space<hbm>>
    tpu.wait_dma2 semaphore(%arg10 : memref<!tpu.dma_semaphore, #tpu.memory_space<semaphore_mem>>) src(%arg6 : memref<32768xf32, #tpu.memory_space<vmem>>) dst(%dma_wait3A_110 : memref<32768xf32, #tpu.memory_space<hbm>>)
    %eq3A_111 = arith.constant 3 : i32
    %eq3A_112 = vector.broadcast %eq3A_111 : i32 to vector<16xi32>
    %eq3A_113 = arith.cmpi eq, %iota3A, %eq3A_112 : vector<16xi32>
    tpu.vector_store_idx %arg6[%get3A_16], %broadcast_in_dim3A_19 masked %eq3A_113 : memref<32768xf32, #tpu.memory_space<vmem>>[vector<16xi32>], vector<16xf32>, vector<16xi1>
    %eq3A_114 = arith.constant 5 : i32
    %eq3A_115 = vector.broadcast %eq3A_114 : i32 to vector<16xi32>
    %eq3A_116 = arith.cmpi eq, %iota3A, %eq3A_115 : vector<16xi32>
    tpu.vector_store_idx %arg6[%get3A_16], %get3A_18 masked %eq3A_116 : memref<32768xf32, #tpu.memory_space<vmem>>[vector<16xi32>], vector<16xf32>, vector<16xi1>
    %add3A_117 = arith.constant 5 : i32
    %add3A_118 = arith.addi %add3A_23, %add3A_117 : i32
    %dma_start3A_119 = arith.constant 0 : i32
    %dma_start3A_120 = tpu.memref_slice %arg4[%add3A_118, %dma_start3A_119] : memref<2048x32768xf32, #tpu.memory_space<hbm>> -> memref<1x32768xf32, #tpu.memory_space<hbm>>
    %dma_start3A_121 = tpu.memref_squeeze %dma_start3A_120 : memref<1x32768xf32, #tpu.memory_space<hbm>> -> memref<32768xf32, #tpu.memory_space<hbm>>
    %dma_start3A_122 = arith.constant 0 : i32
    %dma_start3A_123 = tpu.memref_slice %arg4[%add3A_118, %dma_start3A_122] : memref<2048x32768xf32, #tpu.memory_space<hbm>> -> memref<1x32768xf32, #tpu.memory_space<hbm>>
    %dma_start3A_124 = tpu.memref_squeeze %dma_start3A_123 : memref<1x32768xf32, #tpu.memory_space<hbm>> -> memref<32768xf32, #tpu.memory_space<hbm>>
    tpu.enqueue_dma source(%arg6 : memref<32768xf32, #tpu.memory_space<vmem>>) target(%dma_start3A_124 : memref<32768xf32, #tpu.memory_space<hbm>>) target_semaphore(%arg10 : memref<!tpu.dma_semaphore, #tpu.memory_space<semaphore_mem>>)
    %dma_wait3A_125 = arith.constant 0 : i32
    %dma_wait3A_126 = tpu.memref_slice %arg4[%add3A_98, %dma_wait3A_125] : memref<2048x32768xf32, #tpu.memory_space<hbm>> -> memref<1x32768xf32, #tpu.memory_space<hbm>>
    %dma_wait3A_127 = tpu.memref_squeeze %dma_wait3A_126 : memref<1x32768xf32, #tpu.memory_space<hbm>> -> memref<32768xf32, #tpu.memory_space<hbm>>
    %dma_wait3A_128 = arith.constant 0 : i32
    %dma_wait3A_129 = tpu.memref_slice %arg4[%add3A_98, %dma_wait3A_128] : memref<2048x32768xf32, #tpu.memory_space<hbm>> -> memref<1x32768xf32, #tpu.memory_space<hbm>>
    %dma_wait3A_130 = tpu.memref_squeeze %dma_wait3A_129 : memref<1x32768xf32, #tpu.memory_space<hbm>> -> memref<32768xf32, #tpu.memory_space<hbm>>
    tpu.wait_dma2 semaphore(%arg9 : memref<!tpu.dma_semaphore, #tpu.memory_space<semaphore_mem>>) src(%arg5 : memref<32768xf32, #tpu.memory_space<vmem>>) dst(%dma_wait3A_130 : memref<32768xf32, #tpu.memory_space<hbm>>)
    %eq3A_131 = arith.constant 4 : i32
    %eq3A_132 = vector.broadcast %eq3A_131 : i32 to vector<16xi32>
    %eq3A_133 = arith.cmpi eq, %iota3A, %eq3A_132 : vector<16xi32>
    tpu.vector_store_idx %arg5[%get3A_16], %broadcast_in_dim3A_19 masked %eq3A_133 : memref<32768xf32, #tpu.memory_space<vmem>>[vector<16xi32>], vector<16xf32>, vector<16xi1>
    %eq3A_134 = arith.constant 6 : i32
    %eq3A_135 = vector.broadcast %eq3A_134 : i32 to vector<16xi32>
    %eq3A_136 = arith.cmpi eq, %iota3A, %eq3A_135 : vector<16xi32>
    tpu.vector_store_idx %arg5[%get3A_16], %get3A_18 masked %eq3A_136 : memref<32768xf32, #tpu.memory_space<vmem>>[vector<16xi32>], vector<16xf32>, vector<16xi1>
    %add3A_137 = arith.constant 6 : i32
    %add3A_138 = arith.addi %add3A_23, %add3A_137 : i32
    %dma_start3A_139 = arith.constant 0 : i32
    %dma_start3A_140 = tpu.memref_slice %arg4[%add3A_138, %dma_start3A_139] : memref<2048x32768xf32, #tpu.memory_space<hbm>> -> memref<1x32768xf32, #tpu.memory_space<hbm>>
    %dma_start3A_141 = tpu.memref_squeeze %dma_start3A_140 : memref<1x32768xf32, #tpu.memory_space<hbm>> -> memref<32768xf32, #tpu.memory_space<hbm>>
    %dma_start3A_142 = arith.constant 0 : i32
    %dma_start3A_143 = tpu.memref_slice %arg4[%add3A_138, %dma_start3A_142] : memref<2048x32768xf32, #tpu.memory_space<hbm>> -> memref<1x32768xf32, #tpu.memory_space<hbm>>
    %dma_start3A_144 = tpu.memref_squeeze %dma_start3A_143 : memref<1x32768xf32, #tpu.memory_space<hbm>> -> memref<32768xf32, #tpu.memory_space<hbm>>
    tpu.enqueue_dma source(%arg5 : memref<32768xf32, #tpu.memory_space<vmem>>) target(%dma_start3A_144 : memref<32768xf32, #tpu.memory_space<hbm>>) target_semaphore(%arg9 : memref<!tpu.dma_semaphore, #tpu.memory_space<semaphore_mem>>)
    %dma_wait3A_145 = arith.constant 0 : i32
    %dma_wait3A_146 = tpu.memref_slice %arg4[%add3A_118, %dma_wait3A_145] : memref<2048x32768xf32, #tpu.memory_space<hbm>> -> memref<1x32768xf32, #tpu.memory_space<hbm>>
    %dma_wait3A_147 = tpu.memref_squeeze %dma_wait3A_146 : memref<1x32768xf32, #tpu.memory_space<hbm>> -> memref<32768xf32, #tpu.memory_space<hbm>>
    %dma_wait3A_148 = arith.constant 0 : i32
    %dma_wait3A_149 = tpu.memref_slice %arg4[%add3A_118, %dma_wait3A_148] : memref<2048x32768xf32, #tpu.memory_space<hbm>> -> memref<1x32768xf32, #tpu.memory_space<hbm>>
    %dma_wait3A_150 = tpu.memref_squeeze %dma_wait3A_149 : memref<1x32768xf32, #tpu.memory_space<hbm>> -> memref<32768xf32, #tpu.memory_space<hbm>>
    tpu.wait_dma2 semaphore(%arg10 : memref<!tpu.dma_semaphore, #tpu.memory_space<semaphore_mem>>) src(%arg6 : memref<32768xf32, #tpu.memory_space<vmem>>) dst(%dma_wait3A_150 : memref<32768xf32, #tpu.memory_space<hbm>>)
    %eq3A_151 = arith.constant 5 : i32
    %eq3A_152 = vector.broadcast %eq3A_151 : i32 to vector<16xi32>
    %eq3A_153 = arith.cmpi eq, %iota3A, %eq3A_152 : vector<16xi32>
    tpu.vector_store_idx %arg6[%get3A_16], %broadcast_in_dim3A_19 masked %eq3A_153 : memref<32768xf32, #tpu.memory_space<vmem>>[vector<16xi32>], vector<16xf32>, vector<16xi1>
    %eq3A_154 = arith.constant 7 : i32
    %eq3A_155 = vector.broadcast %eq3A_154 : i32 to vector<16xi32>
    %eq3A_156 = arith.cmpi eq, %iota3A, %eq3A_155 : vector<16xi32>
    tpu.vector_store_idx %arg6[%get3A_16], %get3A_18 masked %eq3A_156 : memref<32768xf32, #tpu.memory_space<vmem>>[vector<16xi32>], vector<16xf32>, vector<16xi1>
    %add3A_157 = arith.constant 7 : i32
    %add3A_158 = arith.addi %add3A_23, %add3A_157 : i32
    %dma_start3A_159 = arith.constant 0 : i32
    %dma_start3A_160 = tpu.memref_slice %arg4[%add3A_158, %dma_start3A_159] : memref<2048x32768xf32, #tpu.memory_space<hbm>> -> memref<1x32768xf32, #tpu.memory_space<hbm>>
    %dma_start3A_161 = tpu.memref_squeeze %dma_start3A_160 : memref<1x32768xf32, #tpu.memory_space<hbm>> -> memref<32768xf32, #tpu.memory_space<hbm>>
    %dma_start3A_162 = arith.constant 0 : i32
    %dma_start3A_163 = tpu.memref_slice %arg4[%add3A_158, %dma_start3A_162] : memref<2048x32768xf32, #tpu.memory_space<hbm>> -> memref<1x32768xf32, #tpu.memory_space<hbm>>
    %dma_start3A_164 = tpu.memref_squeeze %dma_start3A_163 : memref<1x32768xf32, #tpu.memory_space<hbm>> -> memref<32768xf32, #tpu.memory_space<hbm>>
    tpu.enqueue_dma source(%arg6 : memref<32768xf32, #tpu.memory_space<vmem>>) target(%dma_start3A_164 : memref<32768xf32, #tpu.memory_space<hbm>>) target_semaphore(%arg10 : memref<!tpu.dma_semaphore, #tpu.memory_space<semaphore_mem>>)
    %dma_wait3A_165 = arith.constant 0 : i32
    %dma_wait3A_166 = tpu.memref_slice %arg4[%add3A_138, %dma_wait3A_165] : memref<2048x32768xf32, #tpu.memory_space<hbm>> -> memref<1x32768xf32, #tpu.memory_space<hbm>>
    %dma_wait3A_167 = tpu.memref_squeeze %dma_wait3A_166 : memref<1x32768xf32, #tpu.memory_space<hbm>> -> memref<32768xf32, #tpu.memory_space<hbm>>
    %dma_wait3A_168 = arith.constant 0 : i32
    %dma_wait3A_169 = tpu.memref_slice %arg4[%add3A_138, %dma_wait3A_168] : memref<2048x32768xf32, #tpu.memory_space<hbm>> -> memref<1x32768xf32, #tpu.memory_space<hbm>>
    %dma_wait3A_170 = tpu.memref_squeeze %dma_wait3A_169 : memref<1x32768xf32, #tpu.memory_space<hbm>> -> memref<32768xf32, #tpu.memory_space<hbm>>
    tpu.wait_dma2 semaphore(%arg9 : memref<!tpu.dma_semaphore, #tpu.memory_space<semaphore_mem>>) src(%arg5 : memref<32768xf32, #tpu.memory_space<vmem>>) dst(%dma_wait3A_170 : memref<32768xf32, #tpu.memory_space<hbm>>)
    %eq3A_171 = arith.constant 6 : i32
    %eq3A_172 = vector.broadcast %eq3A_171 : i32 to vector<16xi32>
    %eq3A_173 = arith.cmpi eq, %iota3A, %eq3A_172 : vector<16xi32>
    tpu.vector_store_idx %arg5[%get3A_16], %broadcast_in_dim3A_19 masked %eq3A_173 : memref<32768xf32, #tpu.memory_space<vmem>>[vector<16xi32>], vector<16xf32>, vector<16xi1>
    %eq3A_174 = arith.constant 8 : i32
    %eq3A_175 = vector.broadcast %eq3A_174 : i32 to vector<16xi32>
    %eq3A_176 = arith.cmpi eq, %iota3A, %eq3A_175 : vector<16xi32>
    tpu.vector_store_idx %arg5[%get3A_16], %get3A_18 masked %eq3A_176 : memref<32768xf32, #tpu.memory_space<vmem>>[vector<16xi32>], vector<16xf32>, vector<16xi1>
    %add3A_177 = arith.constant 8 : i32
    %add3A_178 = arith.addi %add3A_23, %add3A_177 : i32
    %dma_start3A_179 = arith.constant 0 : i32
    %dma_start3A_180 = tpu.memref_slice %arg4[%add3A_178, %dma_start3A_179] : memref<2048x32768xf32, #tpu.memory_space<hbm>> -> memref<1x32768xf32, #tpu.memory_space<hbm>>
    %dma_start3A_181 = tpu.memref_squeeze %dma_start3A_180 : memref<1x32768xf32, #tpu.memory_space<hbm>> -> memref<32768xf32, #tpu.memory_space<hbm>>
    %dma_start3A_182 = arith.constant 0 : i32
    %dma_start3A_183 = tpu.memref_slice %arg4[%add3A_178, %dma_start3A_182] : memref<2048x32768xf32, #tpu.memory_space<hbm>> -> memref<1x32768xf32, #tpu.memory_space<hbm>>
    %dma_start3A_184 = tpu.memref_squeeze %dma_start3A_183 : memref<1x32768xf32, #tpu.memory_space<hbm>> -> memref<32768xf32, #tpu.memory_space<hbm>>
    tpu.enqueue_dma source(%arg5 : memref<32768xf32, #tpu.memory_space<vmem>>) target(%dma_start3A_184 : memref<32768xf32, #tpu.memory_space<hbm>>) target_semaphore(%arg9 : memref<!tpu.dma_semaphore, #tpu.memory_space<semaphore_mem>>)
    %dma_wait3A_185 = arith.constant 0 : i32
    %dma_wait3A_186 = tpu.memref_slice %arg4[%add3A_158, %dma_wait3A_185] : memref<2048x32768xf32, #tpu.memory_space<hbm>> -> memref<1x32768xf32, #tpu.memory_space<hbm>>
    %dma_wait3A_187 = tpu.memref_squeeze %dma_wait3A_186 : memref<1x32768xf32, #tpu.memory_space<hbm>> -> memref<32768xf32, #tpu.memory_space<hbm>>
    %dma_wait3A_188 = arith.constant 0 : i32
    %dma_wait3A_189 = tpu.memref_slice %arg4[%add3A_158, %dma_wait3A_188] : memref<2048x32768xf32, #tpu.memory_space<hbm>> -> memref<1x32768xf32, #tpu.memory_space<hbm>>
    %dma_wait3A_190 = tpu.memref_squeeze %dma_wait3A_189 : memref<1x32768xf32, #tpu.memory_space<hbm>> -> memref<32768xf32, #tpu.memory_space<hbm>>
    tpu.wait_dma2 semaphore(%arg10 : memref<!tpu.dma_semaphore, #tpu.memory_space<semaphore_mem>>) src(%arg6 : memref<32768xf32, #tpu.memory_space<vmem>>) dst(%dma_wait3A_190 : memref<32768xf32, #tpu.memory_space<hbm>>)
    %eq3A_191 = arith.constant 7 : i32
    %eq3A_192 = vector.broadcast %eq3A_191 : i32 to vector<16xi32>
    %eq3A_193 = arith.cmpi eq, %iota3A, %eq3A_192 : vector<16xi32>
    tpu.vector_store_idx %arg6[%get3A_16], %broadcast_in_dim3A_19 masked %eq3A_193 : memref<32768xf32, #tpu.memory_space<vmem>>[vector<16xi32>], vector<16xf32>, vector<16xi1>
    %eq3A_194 = arith.constant 9 : i32
    %eq3A_195 = vector.broadcast %eq3A_194 : i32 to vector<16xi32>
    %eq3A_196 = arith.cmpi eq, %iota3A, %eq3A_195 : vector<16xi32>
    tpu.vector_store_idx %arg6[%get3A_16], %get3A_18 masked %eq3A_196 : memref<32768xf32, #tpu.memory_space<vmem>>[vector<16xi32>], vector<16xf32>, vector<16xi1>
    %add3A_197 = arith.constant 9 : i32
    %add3A_198 = arith.addi %add3A_23, %add3A_197 : i32
    %dma_start3A_199 = arith.constant 0 : i32
    %dma_start3A_200 = tpu.memref_slice %arg4[%add3A_198, %dma_start3A_199] : memref<2048x32768xf32, #tpu.memory_space<hbm>> -> memref<1x32768xf32, #tpu.memory_space<hbm>>
    %dma_start3A_201 = tpu.memref_squeeze %dma_start3A_200 : memref<1x32768xf32, #tpu.memory_space<hbm>> -> memref<32768xf32, #tpu.memory_space<hbm>>
    %dma_start3A_202 = arith.constant 0 : i32
    %dma_start3A_203 = tpu.memref_slice %arg4[%add3A_198, %dma_start3A_202] : memref<2048x32768xf32, #tpu.memory_space<hbm>> -> memref<1x32768xf32, #tpu.memory_space<hbm>>
    %dma_start3A_204 = tpu.memref_squeeze %dma_start3A_203 : memref<1x32768xf32, #tpu.memory_space<hbm>> -> memref<32768xf32, #tpu.memory_space<hbm>>
    tpu.enqueue_dma source(%arg6 : memref<32768xf32, #tpu.memory_space<vmem>>) target(%dma_start3A_204 : memref<32768xf32, #tpu.memory_space<hbm>>) target_semaphore(%arg10 : memref<!tpu.dma_semaphore, #tpu.memory_space<semaphore_mem>>)
    %dma_wait3A_205 = arith.constant 0 : i32
    %dma_wait3A_206 = tpu.memref_slice %arg4[%add3A_178, %dma_wait3A_205] : memref<2048x32768xf32, #tpu.memory_space<hbm>> -> memref<1x32768xf32, #tpu.memory_space<hbm>>
    %dma_wait3A_207 = tpu.memref_squeeze %dma_wait3A_206 : memref<1x32768xf32, #tpu.memory_space<hbm>> -> memref<32768xf32, #tpu.memory_space<hbm>>
    %dma_wait3A_208 = arith.constant 0 : i32
    %dma_wait3A_209 = tpu.memref_slice %arg4[%add3A_178, %dma_wait3A_208] : memref<2048x32768xf32, #tpu.memory_space<hbm>> -> memref<1x32768xf32, #tpu.memory_space<hbm>>
    %dma_wait3A_210 = tpu.memref_squeeze %dma_wait3A_209 : memref<1x32768xf32, #tpu.memory_space<hbm>> -> memref<32768xf32, #tpu.memory_space<hbm>>
    tpu.wait_dma2 semaphore(%arg9 : memref<!tpu.dma_semaphore, #tpu.memory_space<semaphore_mem>>) src(%arg5 : memref<32768xf32, #tpu.memory_space<vmem>>) dst(%dma_wait3A_210 : memref<32768xf32, #tpu.memory_space<hbm>>)
    %eq3A_211 = arith.constant 8 : i32
    %eq3A_212 = vector.broadcast %eq3A_211 : i32 to vector<16xi32>
    %eq3A_213 = arith.cmpi eq, %iota3A, %eq3A_212 : vector<16xi32>
    tpu.vector_store_idx %arg5[%get3A_16], %broadcast_in_dim3A_19 masked %eq3A_213 : memref<32768xf32, #tpu.memory_space<vmem>>[vector<16xi32>], vector<16xf32>, vector<16xi1>
    %eq3A_214 = arith.constant 10 : i32
    %eq3A_215 = vector.broadcast %eq3A_214 : i32 to vector<16xi32>
    %eq3A_216 = arith.cmpi eq, %iota3A, %eq3A_215 : vector<16xi32>
    tpu.vector_store_idx %arg5[%get3A_16], %get3A_18 masked %eq3A_216 : memref<32768xf32, #tpu.memory_space<vmem>>[vector<16xi32>], vector<16xf32>, vector<16xi1>
    %add3A_217 = arith.constant 10 : i32
    %add3A_218 = arith.addi %add3A_23, %add3A_217 : i32
    %dma_start3A_219 = arith.constant 0 : i32
    %dma_start3A_220 = tpu.memref_slice %arg4[%add3A_218, %dma_start3A_219] : memref<2048x32768xf32, #tpu.memory_space<hbm>> -> memref<1x32768xf32, #tpu.memory_space<hbm>>
    %dma_start3A_221 = tpu.memref_squeeze %dma_start3A_220 : memref<1x32768xf32, #tpu.memory_space<hbm>> -> memref<32768xf32, #tpu.memory_space<hbm>>
    %dma_start3A_222 = arith.constant 0 : i32
    %dma_start3A_223 = tpu.memref_slice %arg4[%add3A_218, %dma_start3A_222] : memref<2048x32768xf32, #tpu.memory_space<hbm>> -> memref<1x32768xf32, #tpu.memory_space<hbm>>
    %dma_start3A_224 = tpu.memref_squeeze %dma_start3A_223 : memref<1x32768xf32, #tpu.memory_space<hbm>> -> memref<32768xf32, #tpu.memory_space<hbm>>
    tpu.enqueue_dma source(%arg5 : memref<32768xf32, #tpu.memory_space<vmem>>) target(%dma_start3A_224 : memref<32768xf32, #tpu.memory_space<hbm>>) target_semaphore(%arg9 : memref<!tpu.dma_semaphore, #tpu.memory_space<semaphore_mem>>)
    %dma_wait3A_225 = arith.constant 0 : i32
    %dma_wait3A_226 = tpu.memref_slice %arg4[%add3A_198, %dma_wait3A_225] : memref<2048x32768xf32, #tpu.memory_space<hbm>> -> memref<1x32768xf32, #tpu.memory_space<hbm>>
    %dma_wait3A_227 = tpu.memref_squeeze %dma_wait3A_226 : memref<1x32768xf32, #tpu.memory_space<hbm>> -> memref<32768xf32, #tpu.memory_space<hbm>>
    %dma_wait3A_228 = arith.constant 0 : i32
    %dma_wait3A_229 = tpu.memref_slice %arg4[%add3A_198, %dma_wait3A_228] : memref<2048x32768xf32, #tpu.memory_space<hbm>> -> memref<1x32768xf32, #tpu.memory_space<hbm>>
    %dma_wait3A_230 = tpu.memref_squeeze %dma_wait3A_229 : memref<1x32768xf32, #tpu.memory_space<hbm>> -> memref<32768xf32, #tpu.memory_space<hbm>>
    tpu.wait_dma2 semaphore(%arg10 : memref<!tpu.dma_semaphore, #tpu.memory_space<semaphore_mem>>) src(%arg6 : memref<32768xf32, #tpu.memory_space<vmem>>) dst(%dma_wait3A_230 : memref<32768xf32, #tpu.memory_space<hbm>>)
    %eq3A_231 = arith.constant 9 : i32
    %eq3A_232 = vector.broadcast %eq3A_231 : i32 to vector<16xi32>
    %eq3A_233 = arith.cmpi eq, %iota3A, %eq3A_232 : vector<16xi32>
    tpu.vector_store_idx %arg6[%get3A_16], %broadcast_in_dim3A_19 masked %eq3A_233 : memref<32768xf32, #tpu.memory_space<vmem>>[vector<16xi32>], vector<16xf32>, vector<16xi1>
    %eq3A_234 = arith.constant 11 : i32
    %eq3A_235 = vector.broadcast %eq3A_234 : i32 to vector<16xi32>
    %eq3A_236 = arith.cmpi eq, %iota3A, %eq3A_235 : vector<16xi32>
    tpu.vector_store_idx %arg6[%get3A_16], %get3A_18 masked %eq3A_236 : memref<32768xf32, #tpu.memory_space<vmem>>[vector<16xi32>], vector<16xf32>, vector<16xi1>
    %add3A_237 = arith.constant 11 : i32
    %add3A_238 = arith.addi %add3A_23, %add3A_237 : i32
    %dma_start3A_239 = arith.constant 0 : i32
    %dma_start3A_240 = tpu.memref_slice %arg4[%add3A_238, %dma_start3A_239] : memref<2048x32768xf32, #tpu.memory_space<hbm>> -> memref<1x32768xf32, #tpu.memory_space<hbm>>
    %dma_start3A_241 = tpu.memref_squeeze %dma_start3A_240 : memref<1x32768xf32, #tpu.memory_space<hbm>> -> memref<32768xf32, #tpu.memory_space<hbm>>
    %dma_start3A_242 = arith.constant 0 : i32
    %dma_start3A_243 = tpu.memref_slice %arg4[%add3A_238, %dma_start3A_242] : memref<2048x32768xf32, #tpu.memory_space<hbm>> -> memref<1x32768xf32, #tpu.memory_space<hbm>>
    %dma_start3A_244 = tpu.memref_squeeze %dma_start3A_243 : memref<1x32768xf32, #tpu.memory_space<hbm>> -> memref<32768xf32, #tpu.memory_space<hbm>>
    tpu.enqueue_dma source(%arg6 : memref<32768xf32, #tpu.memory_space<vmem>>) target(%dma_start3A_244 : memref<32768xf32, #tpu.memory_space<hbm>>) target_semaphore(%arg10 : memref<!tpu.dma_semaphore, #tpu.memory_space<semaphore_mem>>)
    %dma_wait3A_245 = arith.constant 0 : i32
    %dma_wait3A_246 = tpu.memref_slice %arg4[%add3A_218, %dma_wait3A_245] : memref<2048x32768xf32, #tpu.memory_space<hbm>> -> memref<1x32768xf32, #tpu.memory_space<hbm>>
    %dma_wait3A_247 = tpu.memref_squeeze %dma_wait3A_246 : memref<1x32768xf32, #tpu.memory_space<hbm>> -> memref<32768xf32, #tpu.memory_space<hbm>>
    %dma_wait3A_248 = arith.constant 0 : i32
    %dma_wait3A_249 = tpu.memref_slice %arg4[%add3A_218, %dma_wait3A_248] : memref<2048x32768xf32, #tpu.memory_space<hbm>> -> memref<1x32768xf32, #tpu.memory_space<hbm>>
    %dma_wait3A_250 = tpu.memref_squeeze %dma_wait3A_249 : memref<1x32768xf32, #tpu.memory_space<hbm>> -> memref<32768xf32, #tpu.memory_space<hbm>>
    tpu.wait_dma2 semaphore(%arg9 : memref<!tpu.dma_semaphore, #tpu.memory_space<semaphore_mem>>) src(%arg5 : memref<32768xf32, #tpu.memory_space<vmem>>) dst(%dma_wait3A_250 : memref<32768xf32, #tpu.memory_space<hbm>>)
    %dma_wait3A_251 = arith.constant 0 : i32
    %dma_wait3A_252 = tpu.memref_slice %arg4[%add3A_238, %dma_wait3A_251] : memref<2048x32768xf32, #tpu.memory_space<hbm>> -> memref<1x32768xf32, #tpu.memory_space<hbm>>
    %dma_wait3A_253 = tpu.memref_squeeze %dma_wait3A_252 : memref<1x32768xf32, #tpu.memory_space<hbm>> -> memref<32768xf32, #tpu.memory_space<hbm>>
    %dma_wait3A_254 = arith.constant 0 : i32
    %dma_wait3A_255 = tpu.memref_slice %arg4[%add3A_238, %dma_wait3A_254] : memref<2048x32768xf32, #tpu.memory_space<hbm>> -> memref<1x32768xf32, #tpu.memory_space<hbm>>
    %dma_wait3A_256 = tpu.memref_squeeze %dma_wait3A_255 : memref<1x32768xf32, #tpu.memory_space<hbm>> -> memref<32768xf32, #tpu.memory_space<hbm>>
    tpu.wait_dma2 semaphore(%arg10 : memref<!tpu.dma_semaphore, #tpu.memory_space<semaphore_mem>>) src(%arg6 : memref<32768xf32, #tpu.memory_space<vmem>>) dst(%dma_wait3A_256 : memref<32768xf32, #tpu.memory_space<hbm>>)
    return
  }
}

module attributes {stable_mosaic.version = 14 : i64} {
  func.func @_tc_body(%arg0: i32, %arg1: memref<32x1xi32, #tpu.memory_space<vmem>>, %arg2: memref<32x1xf32, #tpu.memory_space<vmem>>, %arg3: memref<8x128xf32, #tpu.memory_space<vmem>>, %arg4: memref<32x32768xf32, #tpu.memory_space<vmem>>) attributes {dimension_semantics = [#tpu.dimension_semantics<arbitrary>], iteration_bounds = array<i64: 52>, scalar_prefetch = 0 : i64, scratch_operands = 0 : i64, tpu.core_type = #tpu.core_type<tc>, window_params = [{transform_indices = @transform_0, window_bounds = array<i64: 32, 1>}, {transform_indices = @transform_1, window_bounds = array<i64: 32, 1>}, {transform_indices = @transform_2, window_bounds = array<i64: 8, 128>}, {transform_indices = @transform_3, window_bounds = array<i64: 32, 32768>}]} {
    %get3A = arith.constant 0 : index
    %get3A_0 = arith.constant 0 : index
    %get3A_1 = vector.load %arg1[%get3A, %get3A_0] : memref<32x1xi32, #tpu.memory_space<vmem>>, vector<32x1xi32>
    %get3A_2 = arith.constant 0 : index
    %get3A_3 = arith.constant 0 : index
    %get3A_4 = vector.load %arg2[%get3A_2, %get3A_3] : memref<32x1xf32, #tpu.memory_space<vmem>>, vector<32x1xf32>
    %iota3A = tpu.iota {dimensions = array<i32: 1>} : vector<32x32768xi32>
    %eq3A = vector.broadcast %get3A_1 : vector<32x1xi32> to vector<32x32768xi32>
    %eq3A_5 = arith.cmpi eq, %iota3A, %eq3A : vector<32x32768xi32>
    %jit3A = arith.constant 0.000000e+00 : f32
    %broadcast_in_dim3A = vector.shape_cast %get3A_4 : vector<32x1xf32> to vector<32x1xf32>
    %broadcast_in_dim3A_6 = vector.broadcast %broadcast_in_dim3A : vector<32x1xf32> to vector<32x32768xf32>
    %broadcast_in_dim3A_7 = vector.broadcast %jit3A : f32 to vector<32x32768xf32>
    %select_n3A = arith.select %eq3A_5, %broadcast_in_dim3A_6, %broadcast_in_dim3A_7 : vector<32x32768xi1>, vector<32x32768xf32>
    %swap3A = arith.constant 0 : index
    %swap3A_8 = arith.constant 0 : index
    %swap3A_9 = vector.load %arg4[%swap3A, %swap3A_8] : memref<32x32768xf32, #tpu.memory_space<vmem>>, vector<32x32768xf32>
    tpu.vector_store %arg4[%swap3A, %swap3A_8], %select_n3A {strides = array<i32>} : memref<32x32768xf32, #tpu.memory_space<vmem>>, vector<32x32768xf32>,
    return
  }
  func.func @transform_0(%arg0: i32) -> (i32, i32) {
    %c0_i32 = arith.constant 0 : i32
    %c0_i32_0 = arith.constant 0 : i32
    return %arg0, %c0_i32 : i32, i32
  }
  func.func @transform_1(%arg0: i32) -> (i32, i32) {
    %c0_i32 = arith.constant 0 : i32
    %c0_i32_0 = arith.constant 0 : i32
    return %arg0, %c0_i32 : i32, i32
  }
  func.func @transform_2(%arg0: i32) -> (i32, i32) {
    %c0_i32 = arith.constant 0 : i32
    %c0_i32_0 = arith.constant 0 : i32
    %c0_i32_1 = arith.constant 0 : i32
    return %c0_i32, %c0_i32_0 : i32, i32
  }
  func.func @transform_3(%arg0: i32) -> (i32, i32) {
    %c0_i32 = arith.constant 0 : i32
    %c0_i32_0 = arith.constant 0 : i32
    return %arg0, %c0_i32 : i32, i32
  }
}

</mosaic_0001>

<sc_bundles>
// kernel: kernel.4.cloned.1.call-start
scs
__scs_entry_jumppad:
0x0: {  	(pc) =	sbr.rel $0x88, $3  }
0x1: {  	(tag) =	ssettag $0x0;
	lr =	simm.s32 $0x1  }
0x2: {  	[smem:$0x3F9E] =	sst lr;
	_ =	strace $0xD0000000  }
0x3: {  	_ = 	snop  }
0x4: {  	_ = 	snop  }
0x5: {  	_ = 	snop  }
0x6: {  	_ = 	snop  }
0x7: {  	_ = 	snop  }
__scs_overlays_trampoline_lowered:
0x8: {  	[smem:$0x3FAD] =	sst s0  }
0x9: {  	[smem:$0x3FAE] =	sst s1  }
0xa: {  	[smem:$0x3FAF] =	sst s2  }
0xb: {  	[smem:$0x3FB0] =	sst s3  }
0xc: {  	[smem:$0x3FB1] =	sst s4  }
0xd: {  	[smem:$0x3FB2] =	sst s5  }
0xe: {  	[smem:$0x3FB3] =	sst s6  }
0xf: {  	[smem:$0x3FB4] =	sst s7  }
0x10: {  	[smem:$0x3FB5] =	sst s8  }
0x11: {  	[smem:$0x3FB6] =	sst s9;
	s0 =	simm.s32 @!p0 $0x0  }
0x12: {  	s1 =	sld [smem:$0x3F9C];
	s0 =	simm.s32 @p0 $0x1  }
0x13: {  	[smem:$0x3FB7] =	sst s0;
	s0 =	simm.s32 @!p1 $0x0  }
0x14: {  	s2 =	sld [smem:$0x3F9B];
	s0 =	simm.s32 @p1 $0x1  }
0x15: {  	[smem:$0x3FB8] =	sst s0;
	s0 =	simm.s32 @!p2 $0x0  }
0x16: {  	s3 =	sld [smem:$0x3FDB];
	s0 =	simm.s32 @p2 $0x1  }
0x17: {  	s4 =	simm.s32 $0x1BF5;
	[smem:$0x3FBA] =	sst s0  }
0x18: {  	s0 =	sld [smem:$0x3F9D];
	_ =	swait.ge [sflag:s4], $0x0  }
0x19: {  	s7 =	sld [smem:$0x3F9E]  }
0x1a: {  	s8 =	sadd.s32 $0xFFFFE003, lr  }
0x1b: {  	s9 =	sadd.s32 $0xFFFFFEF7, lr;
	s5 =	simm.s32 $0xFFFFFFFF;
	p2 =	slt.u32 s8, $0xFFFFF086  }
0x1c: {  	p1 =	slt.u32 s9, $0xF7A;
	s5 =	simm.s32 @!p2 $0x0  }
0x1d: {  	s5 =	simm.s32 @p1 $0x1;
	p0 =	seq.s32 s7, s2  }
0x1e: {  	s7 =	smul.u32 @!p0 $0xF7A, s2;
	p2 =	seq.s32 @!p0 s5, $0x0  }
0x1f: {  	s9 =	smul.u32 $0xF7A, s1;
	s8 =	simm.s32 @!p0 $0x1BF5;
	p2 =	por !p2, p0  }
0x20: {  	[sflag:s8] =	ssyncset.s32 @!p0 $0xFFFFF086;
	s6 =	sadd.s32 @!p0 s3, s7;
	s7 =	simm.s32 @!p0 $0x108  }
0x21: {  	s3 =	sadd.s32 s3, s9;
	s6 =	sadd.s32 @!p0 $0x88, s6;
	s7 =	simm.s32 @p2 $0x1082  }
0x22: {  	[simem:s7], [sflag:s8] =	dma.local @!p0 [hbm:s6], $0xF7A  }
0x23: {  	s9 =	sor.u32 $0xD0000000, s2;
	s6 =	simm.s32 $0x108;
	_ =	swait.ge @!p0 [sflag:s8], $0x0  }
0x24: {  	s3 =	sadd.s32 $0x88, s3;
	s6 =	simm.s32 @!p1 $0x1082;
	[sflag:s4] =	ssyncset.s32 $0xFFFFF086  }
0x25: {  	[simem:s6], [sflag:s4] =	dma.local [hbm:s3], $0xF7A  }
0x26: {  	[smem:$0x3F9E] =	sst s1;
	(tag) =	ssettag s2;
	_ =	strace s9  }
0x27: {  	s1 =	sld [smem:$0x3FAE]  }
0x28: {  	s2 =	sld [smem:$0x3FAF]  }
0x29: {  	s4 =	sld [smem:$0x3FB1]  }
0x2a: {  	p0 =	seq.s32 s5, $0x0;
	s5 =	sld [smem:$0x3FB2]  }
0x2b: {  	s6 =	sld [smem:$0x3FB3]  }
0x2c: {  	s7 =	sld [smem:$0x3FB4]  }
0x2d: {  	s3 =	simm.s32 $0x108;
	s8 =	sld [smem:$0x3FB5]  }
0x2e: {  	s3 =	simm.s32 @!p0 $0x1082;
	s9 =	sld [smem:$0x3FB6]  }
0x2f: {  	lr =	sadd.s32 s0, s3;
	s0 =	sld [smem:$0x3FAD]  }
0x30: {  	s3 =	sld [smem:$0x3FB0]  }
0x31: {  	[smem:$0x3FB9] =	sst s10  }
0x32: {  	s10 =	sld [smem:$0x3FB7];
	_ =	sdelay $0x3  }
0x33: {  	p0 =	seq.s32 s10, $0x1;
	s10 =	sld [smem:$0x3FB9];
	_ =	sdelay $0x3  }
0x34: {  	[smem:$0x3FB9] =	sst s10  }
0x35: {  	s10 =	sld [smem:$0x3FB8];
	_ =	sdelay $0x3  }
0x36: {  	p1 =	seq.s32 s10, $0x1;
	s10 =	sld [smem:$0x3FB9];
	_ =	sdelay $0x3  }
0x37: {  	[smem:$0x3FB9] =	sst s10  }
0x38: {  	s10 =	sld [smem:$0x3FBA]  }
0x39: {  	_ = 	snop;
	(pc) =	sbr.ind lr, $3  }
0x3a: {  	_ = 	snop  }
0x3b: {  	_ = 	snop  }
0x3c: {  	p2 =	seq.s32 s10, $0x1;
	s10 =	sld [smem:$0x3FB9]  }
0x3d: {  	_ =	shalt  }
0x3e: {  	_ =	shalt  }
0x3f: {  	_ =	shalt  }
0x40: {  	_ =	shalt  }
0x41: {  	_ =	shalt  }
0x42: {  	_ =	shalt  }
0x43: {  	_ =	shalt  }
0x44: {  	_ =	shalt  }
0x45: {  	_ =	shalt  }
0x46: {  	_ =	shalt  }
0x47: {  	_ =	shalt  }
0x48: {  	_ =	shalt  }
0x49: {  	_ =	shalt  }
0x4a: {  	_ =	shalt  }
0x4b: {  	_ =	shalt  }
0x4c: {  	_ =	shalt  }
0x4d: {  	_ =	shalt  }
0x4e: {  	_ =	shalt  }
0x4f: {  	_ =	shalt  }
0x50: {  	_ =	shalt  }
0x51: {  	_ =	shalt  }
0x52: {  	_ =	shalt  }
0x53: {  	_ =	shalt  }
0x54: {  	_ =	shalt  }
0x55: {  	_ =	shalt  }
0x56: {  	_ =	shalt  }
0x57: {  	_ =	shalt  }
0x58: {  	_ =	shalt  }
0x59: {  	_ =	shalt  }
0x5a: {  	_ =	shalt  }
0x5b: {  	_ =	shalt  }
0x5c: {  	_ =	shalt  }
0x5d: {  	_ =	shalt  }
0x5e: {  	_ =	shalt  }
0x5f: {  	_ =	shalt  }
0x60: {  	_ =	shalt  }
0x61: {  	_ =	shalt  }
0x62: {  	_ =	shalt  }
0x63: {  	_ =	shalt  }
0x64: {  	_ =	shalt  }
0x65: {  	_ =	shalt  }
0x66: {  	_ =	shalt  }
0x67: {  	_ =	shalt  }
0x68: {  	_ =	shalt  }
0x69: {  	_ =	shalt  }
0x6a: {  	_ =	shalt  }
0x6b: {  	_ =	shalt  }
0x6c: {  	_ =	shalt  }
0x6d: {  	_ =	shalt  }
0x6e: {  	_ =	shalt  }
0x6f: {  	_ =	shalt  }
0x70: {  	_ =	shalt  }
0x71: {  	_ =	shalt  }
0x72: {  	_ =	shalt  }
0x73: {  	_ =	shalt  }
0x74: {  	_ =	shalt  }
0x75: {  	_ =	shalt  }
0x76: {  	_ =	shalt  }
0x77: {  	_ =	shalt  }
0x78: {  	_ =	shalt  }
0x79: {  	_ =	shalt  }
0x7a: {  	_ =	shalt  }
0x7b: {  	_ =	shalt  }
0x7c: {  	_ =	shalt  }
0x7d: {  	_ =	shalt  }
0x7e: {  	_ =	shalt  }
0x7f: {  	_ =	shalt  }
0x80: {  	_ =	shalt  }
0x81: {  	_ =	shalt  }
0x82: {  	_ =	shalt  }
0x83: {  	_ =	shalt  }
0x84: {  	_ =	shalt  }
0x85: {  	_ =	shalt  }
0x86: {  	_ =	shalt  }
0x87: {  	_ =	shalt  }
.Lfunc_end0:
.L_simem_size_0:
called_computation_lowered:
.L_overlay_start_0:
0x88: {  	s2 =	sld [smem:$0x3FD9]  }
0x89: {  	s3 =	sld [smem:$0x3FFE];
	_ =	sdelay $0x1  }
0x8a: {  	s1 =	srdreg.scid  }
0x8b: {  	s0 =	sand.u32 $0x1, s1  }
0x8c: {  	s17 =	sshll.u32 s0, $0xA;
	s2 =	sadd.s32 s3, s2  }
0x8d: {  	s2 =	sadd.s32 s2, s17  }
0x8e: {  	[smem:$0x3FC5] =	sst s2  }
0x8f: {  	_ = 	snop  }
0x90: {  	s2 =	sld [smem:$0x3FD0];
	(tm) =	ssettm $0x1  }
0x91: {  	s18 =	sld [smem:$0x3FFB];
	_ =	sdelay $0x3  }
0x92: {  	_ =	strace s18  }
0x93: {  	s3 =	sld [smem:$0x3FFC];
	_ =	sdelay $0x3  }
0x94: {  	_ =	strace s3  }
0x95: {  	s3 =	sld [smem:$0x3FFD];
	_ =	sdelay $0x3  }
0x96: {  	_ =	strace s3  }
0x97: {  	_ =	strace $0x8FFFFFFF  }
0x98: {  	s19 =	sld [smem:$0x3FDB];
	_ =	sdelay $0x1  }
0x99: {  	s4 =	simm.s32 $_scs_section_size  }
0x9a: {  	s5 =	simm.s32 $_size__tile_overlayer_lowered;
	s6 =	simm.s32 $_tile_overlayer_lowered  }
0x9b: {  	s22 =	simm.s32 $0x1BFF;
	s21 =	sshll.u32 s6, $0x1;
	s3 =	sadd.s32 s4, s19  }
0x9c: {  	s7 =	simm.s32 $0x0;
	s20 =	sshll.u32 s5, $0x1;
	s5 =	sadd.s32 s21, s3  }
0x9d: {  	[timem:s7], [sflag:s22] =	dma.local [hbm:s5], s20  }
0x9e: {  	_ =	swait.ge [sflag:s22], s20  }
0x9f: {  	s4 =	ssub.s32 $0x0, s20;
	[sflag:s22] =	ssyncset.done $0x0  }
0xa0: {  	[sflag:s22] =	ssyncadd.s32 s4;
	_ =	sdelay $0x1  }
0xa1: {  	s23 =	simm.s32 $0x1B8B  }
0xa2: {  	_ =	swait.ge [sflag:s23], $0x1  }
0xa3: {  	[sflag:s23] =	ssyncset.done $0x0  }
0xa4: {  	s25 =	simm.s32 $0x1B8E;
	s24 =	sld [smem:$0x3FFE];
	[sflag:s23] =	ssyncadd.s32 $0xFFFFFFFF  }
0xa5: {  	s26 =	simm.s32 $execute0_lowered;
	[smem:$0x3FD2] =	sst s25  }
0xa6: {  	s5 =	sshll.u32 s26, $0x1;
	_ =	strace $0x80000046;
	[dreg:$0x1] =	wrdreg $0xFFFFFFFF  }
0xa7: {  	s28 =	simm.s32 $_size_execute0_lowered;
	s3 =	sadd.s32 s3, s5;
	[dreg:$0x0] =	wrdreg $0x0  }
0xa8: {  	s5 =	sshll.u32 s28, $0x1;
	[dreg:$0x2] =	wrdreg s3  }
0xa9: {  	[dreg:$0x3] =	wrdreg s5  }
0xaa: {  	[dreg:$0x4] =	wrdreg $0xC0  }
0xab: {  	_ =	task [dreg:s7], $0x5FFFF  }
0xac: {  	[dreg:$0x1] =	wrdreg $0xFFFFFFFF  }
0xad: {  	[dreg:$0x0] =	wrdreg $0x60  }
0xae: {  	[dreg:$0x2] =	wrdreg s24  }
0xaf: {  	[dreg:$0x3] =	wrdreg s2  }
0xb0: {  	[dreg:$0x4] =	wrdreg $0x9  }
0xb1: {  	_ =	task.clear_ibuf [dreg:s7], $0x5FFFF;
	_ =	strace $0x90000046  }
0xb2: {  	s29 =	simm.s32 $0x9;
	_ =	strace $0x80000048  }
0xb3: {  	_ =	swait.ge [sflag:s29], $0x1  }
0xb4: {  	[sflag:s29] =	ssyncadd.s32 $0xFFFFFFFF  }
0xb5: {  	_ =	strace $0x90000048  }
0xb6: {  	_ =	sfence  }
0xb7: {  	s30 =	sld [smem:$0x0];
	_ =	sdelay $0x2  }
0xb8: {  	s31 =	sshll.u32 s1, $0xD;
	s1 =	sshrl.u32 s1, $0x2  }
0xb9: {  	s3 =	sand.u32 $0x4000, s31;
	s1 =	sadd.s32 s1, s30  }
0xba: {  	s0 =	sor.u32 s3, s0;
	s1 =	sshll.u32 s1, $0x11  }
0xbb: {  	s0 =	sor.u32 s1, s0  }
0xbc: {  	s0 =	sadd.s32 $0x8F2B, s0  }
0xbd: {  	[sflag:s0] =	ssyncadd.remote.s32 $0x1  }
0xbe: {  	_ =	sfence.sel $0xFFFF  }
0xbf: {  	[dreg:$0x0] =	wrdreg $0xFFFFFFFF;
	(pc) =	sbr.abs _section_cstart, $3  }
0xc0: {  	[dreg:$0x1] =	wrdreg $0xFFFFFFFF  }
0xc1: {  	_ =	task.clear_ibuf [dreg:s7], $0x2FFFF;
	_ =	strace $0x9FFFFFFF  }
0xc2: {  	(tm) =	ssettm $0x7FFFFFFF  }
0xc3: {  	_ =	shalt  }
tec
execute0_lowered:
.L_overlay_start_1:
0x0: {  	(tag) =	ssettag $0x1  }
0x1: {  	s3 =	rddreg [dreg:$0x0];
	s1 =	srdreg.scid  }
0x2: {  	s0 =	stileid.u32;
	s14 =	rddreg [dreg:$0x1]  }
0x3: {  	s2 =	simm.s32 $0x0;
	s4 =	sand.u32 $0x1, s1;
	s1 =	rddreg [dreg:$0x2]  }
0x4: {  	s5 =	sshll.u32 s0, $0x1;
	[smem:$0x7FF] =	sst s2  }
0x5: {  	s5 =	sor.u32 s4, s5;
	s6 =	ssub.s32 $0x2, s4;
	_ =	strace $0x80000047  }
0x6: {  	s4 =	sshll.u32 s4, $0x9;
	s7 =	smul.u32 $0x60000, s5;
	s8 =	sshll.u32 s5, $0x1  }
0x7: {  	s9 =	sshrl.u32 s6, $0x1;
	s15 =	smul.u32 $0xC, s5;
	s10 =	sadd.s32 s8, s3  }
0x8: {  	s17 =	ssub.s32 s6, s9;
	s7 =	sand.u32 $0xFC0000, s7;
	s3 =	sadd.s32 $0x1000, s10  }
0x9: {  	s11 =	sadd.s32 $0x681, s15;
	s16 =	sadd.s32 $0x682, s15;
	s19 =	sadd.s32 $0x683, s15  }
0xa: {  	s20 =	sadd.s32 $0x684, s15;
	s24 =	sadd.s32 $0x687, s15;
	s30 =	sadd.s32 $0x689, s15  }
0xb: {  	s17 =	smax.u32 s17, $0x1;
	s12 =	sor.u32 s4, s7;
	s4 =	sadd.s32 $0x1200, s10  }
0xc: {  	s13 =	sshll.u32 s11, $0x4;
	s6 =	sshll.u32 s11, $0xC;
	s18 =	sshll.u32 s16, $0xC  }
0xd: {  	s8 =	sshll.u32 s16, $0x4;
	s10 =	sshll.u32 s19, $0x4;
	s9 =	sshll.u32 s19, $0xC  }
0xe: {  	s21 =	sshll.u32 s20, $0xC;
	s11 =	sadd.s32 $0x685, s15;
	s16 =	sadd.s32 $0x686, s15  }
0xf: {  	s25 =	sshll.u32 s24, $0xC;
	s31 =	sshll.u32 s30, $0xC;
	s19 =	sadd.s32 $0x68A, s15  }
0x10: {  	s15 =	sadd.s32 $0x68B, s15;
	s5 =	sadd.s32 $0x3400000, s12;
	s7 =	sand.u32 $0x50, s13  }
0x11: {  	s6 =	sand.u32 $0xFF8000, s6;
	s8 =	sand.u32 $0x60, s8;
	s10 =	sand.u32 $0x70, s10  }
0x12: {  	s9 =	sand.u32 $0xFF8000, s9;
	s13 =	sshll.u32 s11, $0x4;
	s11 =	sshll.u32 s11, $0xC  }
0x13: {  	s22 =	sshll.u32 s16, $0x4;
	s23 =	sshll.u32 s16, $0xC;
	s28 =	sadd.s32 $0x3440000, s12  }
0x14: {  	s5 =	sshrl.u32 s5, $0x3;
	s7 =	sadd.s32 s14, s7;
	s8 =	sadd.s32 s14, s8  }
0x15: {  	s10 =	sadd.s32 s14, s10;
	s13 =	sand.u32 $0x50, s13;
	s11 =	sand.u32 $0xFF8000, s11  }
0x16: {  	s29 =	sshrl.u32 s28, $0x3;
	s5 =	sadd.s32 s14, s5;
	s6 =	sadd.s32 s6, s7  }
0x17: {  	s7 =	sand.u32 $0xFF8000, s18;
	s13 =	sadd.s32 s14, s13;
	s18 =	sshll.u32 s24, $0x4  }
0x18: {  	s24 =	simm.s32 $0x8000;
	s7 =	sadd.s32 s7, s8;
	s8 =	sadd.s32 s9, s10  }
0x19: {  	s9 =	sshll.u32 s20, $0x4;
	s10 =	sand.u32 $0xFF8000, s21;
	s26 =	sand.u32 $0x70, s18  }
0x1a: {  	s18 =	sand.u32 $0xFF8000, s31;
	s20 =	sshll.u32 s19, $0xC;
	s19 =	sshll.u32 s19, $0x4  }
0x1b: {  	s21 =	sshll.u32 s15, $0x4;
	s15 =	sshll.u32 s15, $0xC;
	s9 =	sand.u32 $0x40, s9  }
0x1c: {  	s16 =	sadd.s32 s14, s26;
	s20 =	sand.u32 $0xFF8000, s20;
	s19 =	sand.u32 $0x60, s19  }
0x1d: {  	s21 =	sand.u32 $0x70, s21;
	s9 =	sadd.s32 s14, s9;
	s19 =	sadd.s32 s14, s19  }
0x1e: {  	s9 =	sadd.s32 s10, s9;
	s10 =	sadd.s32 s11, s13;
	s11 =	sand.u32 $0x60, s22  }
0x1f: {  	s21 =	sadd.s32 s14, s21;
	s13 =	sand.u32 $0xFF8000, s23;
	s11 =	sadd.s32 s14, s11  }
0x20: {  	s22 =	sand.u32 $0xFF8000, s15;
	s11 =	sadd.s32 s13, s11;
	s13 =	sand.u32 $0xFF8000, s25  }
0x21: {  	s15 =	sadd.s32 s20, s19;
	s12 =	sadd.s32 s13, s16;
	s16 =	sshll.u32 s30, $0x4  }
0x22: {  	v0 =	vimm.f32 $0.0e+00;
	vm0 =	vcmask $0x704;
	vm1 =	vcmask $0xB08;
	s19 =	simm.s32 $0x10080;
	s20 =	simm.s32 $0x1;
	s16 =	sand.u32 $0x50, s16  }
0x23: {  	vm2 =	vcmask $0xF0C;
	vm3 =	vcmask $0x1310;
	vm4 =	vcmask $0x1714;
	s23 =	simm.s32 $0x400;
	s25 =	simm.s32 $0x0;
	s16 =	sadd.s32 s14, s16  }
0x24: {  	vm5 =	vcmask $0x1B18;
	vm6 =	vcmask $0x1F1C;
	vm7 =	vcmask $0x2320;
	s13 =	sadd.s32 s14, s29;
	s14 =	sadd.s32 s18, s16;
	s16 =	sadd.s32 s22, s21  }
0x25: {  	vm8 =	vcmask $0x2724;
	vm9 =	vcmask $0x2B28;
	vm10 =	vcmask $0x2F2C;
	s18 =	simm.s32 $0x10000;
	s21 =	simm.s32 $0x2;
	s22 =	simm.s32 $0x80  }
.LBB2_1:
0x26: {  	[tilespmem:s18], [sflag:$0x1] =	stream.linear.gather [hbm4b:s3+s2], $0x10, $0x38;
	[tilespmem:$0x10100] =	vst v63  }
0x27: {  	s26 =	simm.s32 $0x0;
	s28 =	simm.s32 $0x200  }
0x28: {  	[tilespmem:s19], [sflag:$0x2] =	stream.linear.gather [hbm4b:s4+s2], $0x10, $0x38;
	[tilespmem:$0x10100] =	vst v63  }
.LBB2_2:
0x29: {  	p0 =	sne.s32 s28, $0x1FE00;
	[tilespmem:s26+$0x8070] =	vst v0  }
0x2a: {  	[tilespmem:s26+$0x0] =	vst v0  }
0x2b: {  	[tilespmem:s26+$0x8000] =	vst v0  }
0x2c: {  	[tilespmem:s26+$0x10] =	vst v0  }
0x2d: {  	[tilespmem:s26+$0x8010] =	vst v0  }
0x2e: {  	[tilespmem:s26+$0x20] =	vst v0  }
0x2f: {  	[tilespmem:s26+$0x8020] =	vst v0  }
0x30: {  	[tilespmem:s26+$0x30] =	vst v0  }
0x31: {  	[tilespmem:s26+$0x8030] =	vst v0  }
0x32: {  	[tilespmem:s26+$0x40] =	vst v0  }
0x33: {  	[tilespmem:s26+$0x8040] =	vst v0  }
.Ltmp0:
0x34: {  	[tilespmem:s26+$0x50] =	vst v0;
	(pc) =	sbr.rel @p0 .LBB2_2-.Ltmp0, $4  }
0x35: {  	[tilespmem:s26+$0x8050] =	vst v0  }
0x36: {  	[tilespmem:s26+$0x60] =	vst v0  }
0x37: {  	[tilespmem:s26+$0x8060] =	vst v0  }
0x38: {  	[tilespmem:s26+$0x70] =	vst v0;
	s26 =	sshra.s32 s28, $0x2;
	s28 =	sadd.s32 $0x200, s28  }
0x39: {  	[tilespmem:s26+$0x8070] =	vst v0  }
0x3a: {  	[tilespmem:s26+$0x0] =	vst v0  }
0x3b: {  	[tilespmem:s26+$0x8000] =	vst v0  }
0x3c: {  	[tilespmem:s26+$0x10] =	vst v0  }
0x3d: {  	[tilespmem:s26+$0x8010] =	vst v0  }
0x3e: {  	[tilespmem:s26+$0x20] =	vst v0  }
0x3f: {  	[tilespmem:s26+$0x8020] =	vst v0  }
0x40: {  	[tilespmem:s26+$0x30] =	vst v0  }
0x41: {  	[tilespmem:s26+$0x8030] =	vst v0  }
0x42: {  	[tilespmem:s26+$0x40] =	vst v0  }
0x43: {  	[tilespmem:s26+$0x8040] =	vst v0  }
0x44: {  	[tilespmem:s26+$0x50] =	vst v0  }
0x45: {  	[tilespmem:s26+$0x8050] =	vst v0  }
0x46: {  	[tilespmem:s26+$0x60] =	vst v0  }
0x47: {  	[tilespmem:s26+$0x8060] =	vst v0  }
0x48: {  	[tilespmem:s26+$0x70] =	vst v0  }
0x49: {  	_ =	swait.ge [sflag:s20], $0x10  }
0x4a: {  	[sflag:s20] =	ssyncset.done $0x0  }
0x4b: {  	[sflag:s20] =	ssyncadd.s32 $0xFFFFFFF0  }
0x4c: {  	_ =	swait.ge [sflag:s21], $0x10  }
0x4d: {  	[sflag:s21] =	ssyncset.done $0x0  }
0x4e: {  	[sflag:s21] =	ssyncadd.s32 $0xFFFFFFF0  }
0x4f: {  	v1 =	vld [tilespmem:$0x10000];
	_ =	sdelay $0x2  }
0x50: {  	v2 =	vld [tilespmem:$0x10080];
	_ =	sdelay $0x4  }
0x51: {  	[tilespmem:v1+s2+$0x0] =	vst.idx.msk $0x1, v2  }
0x52: {  	[hbm4b:s5+s22] =	stream.strided.scatter [tilespmem:s2], [sflag:$0x1], $0x8000, s23, s22, $0x38;
	[tilespmem:$0x10100] =	vst v63  }
0x53: {  	[tilespmem:v1+s24+$0x0] =	vst.idx.msk vm0, v2  }
0x54: {  	[hbm4b:s6+s22] =	stream.strided.scatter [tilespmem:s24], [sflag:$0x2], $0x8000, s23, s22, $0x38;
	[tilespmem:$0x10100] =	vst v63  }
0x55: {  	_ =	swait.ge [sflag:s20], $0x8000  }
0x56: {  	[sflag:s20] =	ssyncset.done $0x0  }
0x57: {  	[sflag:s20] =	ssyncadd.s32 $0xFFFF8000  }
0x58: {  	[tilespmem:v1+s2+$0x0] =	vst.idx.msk $0x1, v0  }
0x59: {  	[tilespmem:v1+s2+$0x0] =	vst.idx.msk vm1, v2  }
0x5a: {  	[hbm4b:s7+s22] =	stream.strided.scatter [tilespmem:s2], [sflag:$0x1], $0x8000, s23, s22, $0x38;
	[tilespmem:$0x10100] =	vst v63  }
0x5b: {  	_ =	swait.ge [sflag:s21], $0x8000  }
0x5c: {  	[sflag:s21] =	ssyncset.done $0x0  }
0x5d: {  	[sflag:s21] =	ssyncadd.s32 $0xFFFF8000  }
0x5e: {  	[tilespmem:v1+s24+$0x0] =	vst.idx.msk vm0, v0  }
0x5f: {  	[tilespmem:v1+s24+$0x0] =	vst.idx.msk vm2, v2  }
0x60: {  	[hbm4b:s8+s22] =	stream.strided.scatter [tilespmem:s24], [sflag:$0x2], $0x8000, s23, s22, $0x38;
	[tilespmem:$0x10100] =	vst v63  }
0x61: {  	_ =	swait.ge [sflag:s20], $0x8000  }
0x62: {  	[sflag:s20] =	ssyncset.done $0x0  }
0x63: {  	[sflag:s20] =	ssyncadd.s32 $0xFFFF8000  }
0x64: {  	[tilespmem:v1+s2+$0x0] =	vst.idx.msk vm1, v0  }
0x65: {  	[tilespmem:v1+s2+$0x0] =	vst.idx.msk vm3, v2  }
0x66: {  	[hbm4b:s9+s22] =	stream.strided.scatter [tilespmem:s2], [sflag:$0x1], $0x8000, s23, s22, $0x38;
	[tilespmem:$0x10100] =	vst v63  }
0x67: {  	_ =	swait.ge [sflag:s21], $0x8000  }
0x68: {  	[sflag:s21] =	ssyncset.done $0x0  }
0x69: {  	[sflag:s21] =	ssyncadd.s32 $0xFFFF8000  }
0x6a: {  	[tilespmem:v1+s24+$0x0] =	vst.idx.msk vm2, v0  }
0x6b: {  	[tilespmem:v1+s24+$0x0] =	vst.idx.msk vm4, v2  }
0x6c: {  	[hbm4b:s10+s22] =	stream.strided.scatter [tilespmem:s24], [sflag:$0x2], $0x8000, s23, s22, $0x38;
	[tilespmem:$0x10100] =	vst v63  }
0x6d: {  	_ =	swait.ge [sflag:s20], $0x8000  }
0x6e: {  	[sflag:s20] =	ssyncset.done $0x0  }
0x6f: {  	[sflag:s20] =	ssyncadd.s32 $0xFFFF8000  }
0x70: {  	[tilespmem:v1+s2+$0x0] =	vst.idx.msk vm3, v0  }
0x71: {  	[tilespmem:v1+s2+$0x0] =	vst.idx.msk vm5, v2  }
0x72: {  	[hbm4b:s11+s22] =	stream.strided.scatter [tilespmem:s2], [sflag:$0x1], $0x8000, s23, s22, $0x38;
	[tilespmem:$0x10100] =	vst v63  }
0x73: {  	_ =	swait.ge [sflag:s21], $0x8000  }
0x74: {  	[sflag:s21] =	ssyncset.done $0x0  }
0x75: {  	[sflag:s21] =	ssyncadd.s32 $0xFFFF8000  }
0x76: {  	[tilespmem:v1+s24+$0x0] =	vst.idx.msk vm4, v0  }
0x77: {  	[tilespmem:v1+s24+$0x0] =	vst.idx.msk vm6, v2  }
0x78: {  	[hbm4b:s12+s22] =	stream.strided.scatter [tilespmem:s24], [sflag:$0x2], $0x8000, s23, s22, $0x38;
	[tilespmem:$0x10100] =	vst v63  }
0x79: {  	_ =	swait.ge [sflag:s20], $0x8000  }
0x7a: {  	[sflag:s20] =	ssyncset.done $0x0  }
0x7b: {  	[sflag:s20] =	ssyncadd.s32 $0xFFFF8000  }
0x7c: {  	[tilespmem:v1+s2+$0x0] =	vst.idx.msk vm5, v0  }
0x7d: {  	[tilespmem:v1+s2+$0x0] =	vst.idx.msk vm7, v2  }
0x7e: {  	[hbm4b:s13+s22] =	stream.strided.scatter [tilespmem:s2], [sflag:$0x1], $0x8000, s23, s22, $0x38;
	[tilespmem:$0x10100] =	vst v63  }
0x7f: {  	_ =	swait.ge [sflag:s21], $0x8000  }
0x80: {  	[sflag:s21] =	ssyncset.done $0x0  }
0x81: {  	[sflag:s21] =	ssyncadd.s32 $0xFFFF8000  }
0x82: {  	[tilespmem:v1+s24+$0x0] =	vst.idx.msk vm6, v0  }
0x83: {  	[tilespmem:v1+s24+$0x0] =	vst.idx.msk vm8, v2  }
0x84: {  	[hbm4b:s14+s22] =	stream.strided.scatter [tilespmem:s24], [sflag:$0x2], $0x8000, s23, s22, $0x38;
	[tilespmem:$0x10100] =	vst v63  }
0x85: {  	_ =	swait.ge [sflag:s20], $0x8000  }
0x86: {  	[sflag:s20] =	ssyncset.done $0x0  }
0x87: {  	[sflag:s20] =	ssyncadd.s32 $0xFFFF8000  }
0x88: {  	[tilespmem:v1+s2+$0x0] =	vst.idx.msk vm7, v0  }
0x89: {  	[tilespmem:v1+s2+$0x0] =	vst.idx.msk vm9, v2  }
0x8a: {  	[hbm4b:s15+s22] =	stream.strided.scatter [tilespmem:s2], [sflag:$0x1], $0x8000, s23, s22, $0x38;
	[tilespmem:$0x10100] =	vst v63  }
0x8b: {  	_ =	swait.ge [sflag:s21], $0x8000  }
0x8c: {  	[sflag:s21] =	ssyncset.done $0x0  }
0x8d: {  	[sflag:s21] =	ssyncadd.s32 $0xFFFF8000  }
0x8e: {  	[tilespmem:v1+s24+$0x0] =	vst.idx.msk vm8, v0  }
0x8f: {  	s25 =	sadd.s32 $0x1, s25;
	[tilespmem:v1+s24+$0x0] =	vst.idx.msk vm10, v2  }
0x90: {  	[hbm4b:s16+s22] =	stream.strided.scatter [tilespmem:s24], [sflag:$0x2], $0x8000, s23, s22, $0x38;
	[tilespmem:$0x10100] =	vst v63  }
0x91: {  	p0 =	sne.s32 s25, s17;
	_ =	swait.ge [sflag:s20], $0x8000  }
.Ltmp1:
0x92: {  	[sflag:s20] =	ssyncset.done $0x0;
	(pc) =	sbr.rel @p0 .LBB2_1-.Ltmp1, $4  }
0x93: {  	[sflag:s20] =	ssyncadd.s32 $0xFFFF8000  }
0x94: {  	_ =	swait.ge [sflag:s21], $0x8000  }
0x95: {  	[sflag:s21] =	ssyncset.done $0x0  }
0x96: {  	[sflag:s21] =	ssyncadd.s32 $0xFFFF8000  }
0x97: {  	_ =	sfence.sel $0x180000  }
0x98: {  	[bflag:$0x0] =	sbarrier.arrive $0xFFFF  }
0x99: {  	p0 =	sne.s32 s0, $0x0;
	_ =	strace $0x90000047  }
0x9a: {  	s0 =	sadd.s32 @!p0 $0x100000, s1;
	[bflag:$0x2] =	sbarrier.arrive $0xFFFF  }
0x9b: {  	[sflag:s0] =	ssyncadd.tile.s32 @!p0 $0x1;
	_ =	shalt  }
.Lfunc_end2:
_tile_overlayer_lowered:
.L_overlay_start_2:
0x9c: {  	(tag) =	ssettag $0x2  }
0x9d: {  	s0 =	rddreg [dreg:$0x0];
	s2 =	stileid.u32  }
0x9e: {  	s1 =	rddreg [dreg:$0x1];
	p0 =	sne.s32 s2, $0x0  }
0x9f: {  	s3 =	rddreg [dreg:$0x2];
	[bflag:$0x3] =	sbarrier.arrive $0xFFFF;
	s2 =	simm.s32 @!p0 $0x1C03  }
0xa0: {  	[timem:s3], [sflag:s2] =	dma.local @!p0 [hbm:s0], s1  }
0xa1: {  	s0 =	simm.s32 @!p0 $0x3  }
0xa2: {  	_ =	swait.ge @!p0 [sflag:s0], s1  }
0xa3: {  	s1 =	ssub.s32 @!p0 $0x0, s1;
	[sflag:s0] =	ssyncset.done @!p0 $0x0  }
0xa4: {  	[sflag:s0] =	ssyncadd.s32 @!p0 s1  }
0xa5: {  	[bflag:$0x3] =	sbarrier.arrive $0xFFFF  }
0xa6: {  	_ =	shalt  }

</sc_bundles>
